<compile_context>
chip_gen: v7x
topology: tpu7x:2x2x1
jax: 0.10.2.dev20260603
libtpu: 0.0.44.dev20260713+nightly
codegen_flags: <defaults>
</compile_context>

<pallas_src>
import functools

import jax
import jax.numpy as jnp
import numpy as np
from jax import lax
from jax.experimental import pallas as pl
from jax.experimental.pallas import tpu as pltpu
from jax.experimental.pallas import tpu_sc as plsc

N, K, D = 16384, 1024, 256
BN = 2048
CHUNK = 1024
_C0 = np.float32(0.5 * D) * np.float32(np.log(np.float32(2.0 * np.pi)))


def _estep_kernel(x_ref, means_ref, log_pi_ref, m2_ref,
                  l_ref, zsum_ref, s_ref):
    i = pl.program_id(0)
    xb = x_ref[...]
    means = means_ref[...]
    x2 = jnp.sum(xb * xb, axis=1, keepdims=True)
    xm = jax.lax.dot_general(xb.astype(jnp.bfloat16), means.astype(jnp.bfloat16),
                             (((1,), (1,)), ((), ())),
                             preferred_element_type=jnp.float32)
    dist2 = x2 - 2.0 * xm + m2_ref[...]
    logp = log_pi_ref[...] - 0.5 * dist2 - _C0
    m = jnp.max(logp, axis=1, keepdims=True)
    e = jnp.exp(logp - m)
    s = jnp.sum(e, axis=1, keepdims=True)
    l_ref[...] = m + jnp.log(s)
    z = e / s

    @pl.when(i == 0)
    def _init():
        zsum_ref[...] = jnp.zeros_like(zsum_ref)
        s_ref[...] = jnp.zeros_like(s_ref)

    zacc = zsum_ref[...]
    for c in range(BN // CHUNK):
        a8 = jax.lax.slice(z, (c * CHUNK, 0), (c * CHUNK + 8, K))
        for t in range(1, CHUNK // 8):
            a8 = a8 + jax.lax.slice(z, (c * CHUNK + 8 * t, 0),
                                    (c * CHUNK + 8 * t + 8, K))
        a4 = jax.lax.slice(a8, (0, 0), (4, K)) + jax.lax.slice(a8, (4, 0), (8, K))
        a2 = jax.lax.slice(a4, (0, 0), (2, K)) + jax.lax.slice(a4, (2, 0), (4, K))
        a1 = jax.lax.slice(a2, (0, 0), (1, K)) + jax.lax.slice(a2, (1, 0), (2, K))
        zacc = zacc + a1
    zsum_ref[...] = zacc

    s_ref[...] += jax.lax.dot_general(z.astype(jnp.bfloat16), xb.astype(jnp.bfloat16),
                                      (((0,), (0,)), ((), ())),
                                      preferred_element_type=jnp.float32)


def _rot_kernel(zsum_ref, zrot_ref):
    zs = zsum_ref[...]
    rows = [zs]
    for r in range(1, 16):
        rows.append(jnp.concatenate(
            [jax.lax.slice(zs, (0, r), (1, K)),
             jax.lax.slice(zs, (0, 0), (1, r))], axis=1))
    zrot_ref[...] = jnp.concatenate(rows, axis=0)


_SC_MESH = plsc.VectorSubcoreMesh(core_axis_name="c", subcore_axis_name="s")


@functools.partial(
    pl.kernel,
    mesh=_SC_MESH,
    out_type=jax.ShapeDtypeStruct((K,), jnp.int32),
    scratch_types=[
        pltpu.VMEM((16 * K,), jnp.float32),
        pltpu.VMEM((32,), jnp.int32),
    ],
)
def _sc_rank(zrot_hbm, rank_hbm, zrv, rv):
    wid = lax.axis_index("s") * 2 + lax.axis_index("c")
    pltpu.sync_copy(zrot_hbm, zrv)
    lane = lax.iota(jnp.int32, 16)
    base = wid * 32
    jl0 = lane + base
    jl1 = jl0 + 16
    vj0 = zrv[pl.ds(base, 16)]
    vj1 = zrv[pl.ds(base + 16, 16)]

    def body(o, carry):
        r0, r1 = carry
        for u in range(4):
            it = o * 4 + u
            r = it % 16
            t = it // 16
            vi = zrv[pl.ds(r * K + 16 * t, 16)]
            il = 16 * t + lane + r
            il = jnp.where(il >= K, il - K, il)
            r0 = r0 + jnp.where(vi > vj0, 1, 0) + jnp.where((vi == vj0) & (il > jl0), 1, 0)
            r1 = r1 + jnp.where(vi > vj1, 1, 0) + jnp.where((vi == vj1) & (il > jl1), 1, 0)
        return r0, r1

    zero = jnp.zeros((16,), jnp.int32)
    rank0, rank1 = lax.fori_loop(0, K // 4, body, (zero, zero))
    rv[pl.ds(0, 16)] = rank0
    rv[pl.ds(16, 16)] = rank1
    pltpu.sync_copy(rv, rank_hbm.at[pl.ds(wid * 32, 32)])


def _sort_kernel(zsum_ref, rank_ref, means_ref, log_pi_ref, m2_ref, s_ref,
                 mask_ref, lp_perm_ref, m2_perm_ref, means_perm_ref,
                 new_means_ref, new_pi_ref):
    zs = zsum_ref[...]
    rank = rank_ref[...]
    ii = jax.lax.broadcasted_iota(jnp.int32, (K, K), 0)
    perm = (ii == rank).astype(jnp.float32)

    zsum_perm = jnp.sum(perm * zs, axis=1)[None, :]
    mask = (zsum_perm > 2.0).astype(jnp.float32)
    mask_ref[...] = mask
    lp_perm_ref[...] = jnp.sum(perm * log_pi_ref[...], axis=1)[None, :]
    m2_perm_ref[...] = jnp.sum(perm * m2_ref[...], axis=1)[None, :]
    means_perm_ref[...] = jax.lax.dot_general(
        perm, means_ref[...], (((1,), (0,)), ((), ())),
        preferred_element_type=jnp.float32, precision=jax.lax.Precision.HIGHEST)
    s_perm = jax.lax.dot_general(
        perm, s_ref[...], (((1,), (0,)), ((), ())),
        preferred_element_type=jnp.float32, precision=jax.lax.Precision.HIGHEST)
    zsk = zsum_perm * mask
    new_pi_ref[...] = zsk / (jnp.sum(zsk) + 1e-8)
    new_means_ref[...] = (s_perm * mask.reshape(K, 1)) / (zsk.reshape(K, 1) + 1e-8)


def _zout_kernel(x_ref, means_perm_ref, lp_perm_ref, m2_perm_ref, mask_ref,
                 l_ref, z_ref):
    xb = x_ref[...]
    means = means_perm_ref[...]
    x2 = jnp.sum(xb * xb, axis=1, keepdims=True)
    xm = jax.lax.dot_general(xb.astype(jnp.bfloat16), means.astype(jnp.bfloat16),
                             (((1,), (1,)), ((), ())),
                             preferred_element_type=jnp.float32)
    logp = lp_perm_ref[...] - 0.5 * (x2 - 2.0 * xm + m2_perm_ref[...]) - _C0
    z_ref[...] = jnp.exp(logp - l_ref[...]) * mask_ref[...]


@jax.jit
def kernel(x, means, log_pi):
    log_pi2 = log_pi.reshape(1, K)
    m2 = jnp.sum(means * means, axis=1).reshape(1, K)
    nb = N // BN

    l2, zsum, s = pl.pallas_call(
        _estep_kernel,
        grid=(nb,),
        in_specs=[
            pl.BlockSpec((BN, D), lambda i: (i, 0)),
            pl.BlockSpec((K, D), lambda i: (0, 0)),
            pl.BlockSpec((1, K), lambda i: (0, 0)),
            pl.BlockSpec((1, K), lambda i: (0, 0)),
        ],
        out_specs=[
            pl.BlockSpec((BN, 1), lambda i: (i, 0)),
            pl.BlockSpec((1, K), lambda i: (0, 0)),
            pl.BlockSpec((K, D), lambda i: (0, 0)),
        ],
        out_shape=[
            jax.ShapeDtypeStruct((N, 1), jnp.float32),
            jax.ShapeDtypeStruct((1, K), jnp.float32),
            jax.ShapeDtypeStruct((K, D), jnp.float32),
        ],
    )(x, means, log_pi2, m2)

    zrot = pl.pallas_call(
        _rot_kernel,
        out_shape=jax.ShapeDtypeStruct((16, K), jnp.float32),
    )(zsum)
    rank = _sc_rank(zrot.reshape(16 * K)).reshape(1, K)

    mask, lp_perm, m2_perm, means_perm, new_means, new_pi = pl.pallas_call(
        _sort_kernel,
        out_shape=[
            jax.ShapeDtypeStruct((1, K), jnp.float32),
            jax.ShapeDtypeStruct((1, K), jnp.float32),
            jax.ShapeDtypeStruct((1, K), jnp.float32),
            jax.ShapeDtypeStruct((K, D), jnp.float32),
            jax.ShapeDtypeStruct((K, D), jnp.float32),
            jax.ShapeDtypeStruct((1, K), jnp.float32),
        ],
    )(zsum, rank, means, log_pi2, m2, s)

    z = pl.pallas_call(
        _zout_kernel,
        grid=(nb,),
        in_specs=[
            pl.BlockSpec((BN, D), lambda i: (i, 0)),
            pl.BlockSpec((K, D), lambda i: (0, 0)),
            pl.BlockSpec((1, K), lambda i: (0, 0)),
            pl.BlockSpec((1, K), lambda i: (0, 0)),
            pl.BlockSpec((1, K), lambda i: (0, 0)),
            pl.BlockSpec((BN, 1), lambda i: (i, 0)),
        ],
        out_specs=pl.BlockSpec((BN, K), lambda i: (i, 0)),
        out_shape=jax.ShapeDtypeStruct((N, K), jnp.float32),
    )(x, means_perm, lp_perm, m2_perm, mask, l2)

    return l2.reshape(N), z, new_means, new_pi.reshape(K)

# --- scband reference (transcript-rebuilt; emitter-appended) ---
"""Pipeline reference for scband-mixture-47674136985600 (READ-ONLY COPY).

The authoritative reference and input builder live on the scoring server;
editing this copy changes nothing except your own understanding.
"""

import jax, jax.numpy as jnp
import numpy as np

N, K, D = 16384, 1024, 256

def setup_inputs(seed: int = 0) -> dict:
    key = jax.random.key(seed)
    k1, k2, k3 = jax.random.split(key, 3)
    x = jax.random.normal(k1, (N, D), dtype=jnp.float32)
    means = jax.random.normal(k2, (K, D), dtype=jnp.float32)
    log_pi = jax.nn.log_softmax(jax.random.normal(k3, (K,), dtype=jnp.float32))
    return {"x": x, "means": means, "log_pi": log_pi}

def reference(x, means, log_pi):
    # Mixture.train_step (initialized branch): l, z = self(x)
    # E-step under an isotropic unit-variance Gaussian mixture posterior.
    d = x.shape[1]
    x2 = jnp.sum(x * x, axis=1, keepdims=True)            # [N,1]
    m2 = jnp.sum(means * means, axis=1)                   # [K]
    dist2 = x2 - 2.0 * (x @ means.T) + m2[None, :]        # [N,K] compute-heavy matmul
    logp = log_pi[None, :] - 0.5 * dist2 - 0.5 * d * jnp.log(2.0 * jnp.pi)
    l = jax.nn.logsumexp(logp, axis=1)                    # per-point log-likelihood [N]
    z = jax.nn.softmax(logp, axis=1)                      # responsibilities [N,K]
    # _sort_and_remove: sort components by responsibility mass (desc), mask zsum <= 2
    zsum = jnp.sum(z, axis=0)
    idx = jnp.argsort(zsum)[::-1]
    z = jnp.take(z, idx, axis=1)
    zsum = jnp.take(zsum, idx)
    mask = (zsum > 2.0).astype(z.dtype)
    z = z * mask[None, :]
    # mstep: recompute posterior parameters from responsibilities
    zs = jnp.sum(z, axis=0)                               # [K]
    new_means = (z.T @ x) / (zs[:, None] + 1e-8)          # [K,D] second heavy matmul
    new_pi = zs / (jnp.sum(zs) + 1e-8)
    return l, z, new_means, new_pi

if __name__ == "__main__":
    import jax
    _d = setup_inputs()
    print(jax.jit(kernel)(*tuple(_d.values())))

</pallas_src>

<mosaic_0001>
#map = affine_map<(d0, d1) -> (0)>
module attributes {stable_mosaic.version = 14 : i64} {
  func.func @_sc_rank(%arg0: i32, %arg1: i32, %arg2: memref<16384xf32, #tpu.memory_space<hbm>>, %arg3: memref<1024xi32, #tpu.memory_space<hbm>>, %arg4: memref<16384xf32, #tpu.memory_space<vmem>>, %arg5: memref<32xi32, #tpu.memory_space<vmem>>) attributes {dimension_semantics = [#tpu.dimension_semantics<core_parallel>, #tpu.dimension_semantics<subcore_parallel>], iteration_bounds = array<i64: 2, 16>, scalar_prefetch = 0 : i64, scratch_operands = 2 : i64, tpu.core_type = #tpu.core_type<sc_vector_subcore>, window_params = [{transform_indices = #map}, {transform_indices = #map}]} {
    %mul3A = arith.constant 2 : i32
    %mul3A_0 = arith.muli %arg1, %mul3A : i32
    %add3A = arith.addi %mul3A_0, %arg0 : i32
    "tpu.region"() ({
      %run_scoped3A = tpu.sem_alloc : memref<!tpu.dma_semaphore, #tpu.memory_space<semaphore_mem>>
      tpu.enqueue_dma source(%arg2 : memref<16384xf32, #tpu.memory_space<hbm>>) target(%arg4 : memref<16384xf32, #tpu.memory_space<vmem>>) target_semaphore(%run_scoped3A : memref<!tpu.dma_semaphore, #tpu.memory_space<semaphore_mem>>)
      tpu.wait_dma2 semaphore(%run_scoped3A : memref<!tpu.dma_semaphore, #tpu.memory_space<semaphore_mem>>) src(%arg2 : memref<16384xf32, #tpu.memory_space<hbm>>) dst(%arg4 : memref<16384xf32, #tpu.memory_space<vmem>>)
      tpu.yield
    }) : () -> ()
    %iota3A = tpu.iota {dimensions = array<i32: 0>} : vector<16xi32>
    %mul3A_1 = arith.constant 32 : i32
    %mul3A_2 = arith.muli %add3A, %mul3A_1 : i32
    %add3A_3 = vector.broadcast %mul3A_2 : i32 to vector<16xi32>
    %add3A_4 = arith.addi %iota3A, %add3A_3 : vector<16xi32>
    %add3A_5 = arith.constant 16 : i32
    %add3A_6 = vector.broadcast %add3A_5 : i32 to vector<16xi32>
    %add3A_7 = arith.addi %add3A_4, %add3A_6 : vector<16xi32>
    %get3A = arith.index_cast %mul3A_2 : i32 to index
    %get3A_8 = tpu.vector_load %arg4[%get3A] {strides = array<i32>} : memref<16384xf32, #tpu.memory_space<vmem>>, vector<16xf32>,
    %get3A_9 = vector.shape_cast %get3A_8 : vector<16xf32> to vector<16xf32>
    %add3A_10 = arith.constant 16 : i32
    %add3A_11 = arith.addi %mul3A_2, %add3A_10 : i32
    %get3A_12 = arith.index_cast %add3A_11 : i32 to index
    %get3A_13 = tpu.vector_load %arg4[%get3A_12] {strides = array<i32>} : memref<16384xf32, #tpu.memory_space<vmem>>, vector<16xf32>,
    %get3A_14 = vector.shape_cast %get3A_13 : vector<16xf32> to vector<16xf32>
    %broadcast_in_dim3A = arith.constant 0 : i32
    %broadcast_in_dim3A_15 = vector.broadcast %broadcast_in_dim3A : i32 to vector<16xi32>
    %scan3A = arith.constant 0 : i32
    %scan3A_16 = arith.constant 256 : i32
    %scan3A_17 = arith.addi %scan3A, %scan3A_16 : i32
    %scan3A_18 = arith.constant 1 : i32
    %scan3A_19:2 = scf.for %scan3A_30 = %scan3A to %scan3A_17 step %scan3A_18 iter_args(%scan3A_31 = %broadcast_in_dim3A_15, %scan3A_32 = %broadcast_in_dim3A_15) -> (vector<16xi32>, vector<16xi32>)  : i32 {
      %mul3A_33 = arith.constant 4 : i32
      %mul3A_34 = arith.muli %scan3A_30, %mul3A_33 : i32
      %add3A_35 = arith.constant 0 : i32
      %add3A_36 = arith.addi %mul3A_34, %add3A_35 : i32
      %jit3A = arith.constant 16 : i32
      %eq3A = arith.constant 0 : i32
      %eq3A_37 = arith.cmpi eq, %jit3A, %eq3A : i32
      %jit3A_38 = arith.constant 1 : i32
      %select_n3A = arith.select %eq3A_37, %jit3A_38, %jit3A : i32
      %rem3A = arith.remsi %add3A_36, %select_n3A : i32
      %ne3A = arith.constant 0 : i32
      %ne3A_39 = arith.cmpi ne, %rem3A, %ne3A : i32
      %lt3A = arith.constant 0 : i32
      %lt3A_40 = arith.cmpi slt, %rem3A, %lt3A : i32
      %lt3A_41 = arith.constant 0 : i32
      %lt3A_42 = arith.cmpi slt, %select_n3A, %lt3A_41 : i32
      %ne3A_43 = arith.xori %lt3A_40, %lt3A_42 : i1
      %and3A = arith.andi %ne3A_43, %ne3A_39 : i1
      %add3A_44 = arith.addi %rem3A, %select_n3A : i32
      %select_n3A_45 = arith.select %and3A, %add3A_44, %rem3A : i32
      %jit3A_46 = arith.constant 16 : i32
      %div3A = arith.divsi %add3A_36, %jit3A_46 : i32
      %sign3A = arith.constant 0 : i32
      %sign3A_47 = arith.cmpi sgt, %add3A_36, %sign3A : i32
      %sign3A_48 = arith.extui %sign3A_47 : i1 to i32
      %sign3A_49 = arith.constant 0 : i32
      %sign3A_50 = arith.cmpi slt, %add3A_36, %sign3A_49 : i32
      %sign3A_51 = arith.extui %sign3A_50 : i1 to i32
      %sign3A_52 = arith.subi %sign3A_48, %sign3A_51 : i32
      %sign3A_53 = arith.constant 0 : i32
      %sign3A_54 = arith.cmpi sgt, %jit3A_46, %sign3A_53 : i32
      %sign3A_55 = arith.extui %sign3A_54 : i1 to i32
      %sign3A_56 = arith.constant 0 : i32
      %sign3A_57 = arith.cmpi slt, %jit3A_46, %sign3A_56 : i32
      %sign3A_58 = arith.extui %sign3A_57 : i1 to i32
      %sign3A_59 = arith.subi %sign3A_55, %sign3A_58 : i32
      %ne3A_60 = arith.cmpi ne, %sign3A_52, %sign3A_59 : i32
      %rem3A_61 = arith.remsi %add3A_36, %jit3A_46 : i32
      %ne3A_62 = arith.constant 0 : i32
      %ne3A_63 = arith.cmpi ne, %rem3A_61, %ne3A_62 : i32
      %and3A_64 = arith.andi %ne3A_60, %ne3A_63 : i1
      %sub3A = arith.constant 1 : i32
      %sub3A_65 = arith.subi %div3A, %sub3A : i32
      %select_n3A_66 = arith.select %and3A_64, %sub3A_65, %div3A : i32
      %mul3A_67 = arith.constant 1024 : i32
      %mul3A_68 = arith.muli %select_n3A_45, %mul3A_67 : i32
      %mul3A_69 = arith.constant 16 : i32
      %mul3A_70 = arith.muli %mul3A_69, %select_n3A_66 : i32
      %add3A_71 = arith.addi %mul3A_68, %mul3A_70 : i32
      %get3A_72 = arith.index_cast %add3A_71 : i32 to index
      %get3A_73 = tpu.vector_load %arg4[%get3A_72] {strides = array<i32>} : memref<16384xf32, #tpu.memory_space<vmem>>, vector<16xf32>,
      %get3A_74 = vector.shape_cast %get3A_73 : vector<16xf32> to vector<16xf32>
      %mul3A_75 = arith.constant 16 : i32
      %mul3A_76 = arith.muli %mul3A_75, %select_n3A_66 : i32
      %add3A_77 = vector.broadcast %mul3A_76 : i32 to vector<16xi32>
      %add3A_78 = arith.addi %add3A_77, %iota3A : vector<16xi32>
      %add3A_79 = vector.broadcast %select_n3A_45 : i32 to vector<16xi32>
      %add3A_80 = arith.addi %add3A_78, %add3A_79 : vector<16xi32>
      %ge3A = arith.constant 1024 : i32
      %ge3A_81 = vector.broadcast %ge3A : i32 to vector<16xi32>
      %ge3A_82 = arith.cmpi sge, %add3A_80, %ge3A_81 : vector<16xi32>
      %sub3A_83 = arith.constant 1024 : i32
      %sub3A_84 = vector.broadcast %sub3A_83 : i32 to vector<16xi32>
      %sub3A_85 = arith.subi %add3A_80, %sub3A_84 : vector<16xi32>
      %select_n3A_86 = arith.select %ge3A_82, %sub3A_85, %add3A_80 : vector<16xi1>, vector<16xi32>
      %gt3A = arith.cmpf ogt, %get3A_74, %get3A_9 : vector<16xf32>
      %jit3A_87 = arith.constant 1 : i32
      %jit3A_88 = arith.constant 0 : i32
      %broadcast_in_dim3A_89 = vector.broadcast %jit3A_87 : i32 to vector<16xi32>
      %broadcast_in_dim3A_90 = vector.broadcast %jit3A_88 : i32 to vector<16xi32>
      %select_n3A_91 = arith.select %gt3A, %broadcast_in_dim3A_89, %broadcast_in_dim3A_90 : vector<16xi1>, vector<16xi32>
      %add3A_92 = arith.addi %scan3A_31, %select_n3A_91 : vector<16xi32>
      %eq3A_93 = arith.cmpf oeq, %get3A_74, %get3A_9 : vector<16xf32>
      %gt3A_94 = arith.cmpi sgt, %select_n3A_86, %add3A_4 : vector<16xi32>
      %and3A_95 = arith.andi %eq3A_93, %gt3A_94 : vector<16xi1>
      %jit3A_96 = arith.constant 1 : i32
      %jit3A_97 = arith.constant 0 : i32
      %broadcast_in_dim3A_98 = vector.broadcast %jit3A_96 : i32 to vector<16xi32>
      %broadcast_in_dim3A_99 = vector.broadcast %jit3A_97 : i32 to vector<16xi32>
      %select_n3A_100 = arith.select %and3A_95, %broadcast_in_dim3A_98, %broadcast_in_dim3A_99 : vector<16xi1>, vector<16xi32>
      %add3A_101 = arith.addi %add3A_92, %select_n3A_100 : vector<16xi32>
      %gt3A_102 = arith.cmpf ogt, %get3A_74, %get3A_14 : vector<16xf32>
      %jit3A_103 = arith.constant 1 : i32
      %jit3A_104 = arith.constant 0 : i32
      %broadcast_in_dim3A_105 = vector.broadcast %jit3A_103 : i32 to vector<16xi32>
      %broadcast_in_dim3A_106 = vector.broadcast %jit3A_104 : i32 to vector<16xi32>
      %select_n3A_107 = arith.select %gt3A_102, %broadcast_in_dim3A_105, %broadcast_in_dim3A_106 : vector<16xi1>, vector<16xi32>
      %add3A_108 = arith.addi %scan3A_32, %select_n3A_107 : vector<16xi32>
      %eq3A_109 = arith.cmpf oeq, %get3A_74, %get3A_14 : vector<16xf32>
      %gt3A_110 = arith.cmpi sgt, %select_n3A_86, %add3A_7 : vector<16xi32>
      %and3A_111 = arith.andi %eq3A_109, %gt3A_110 : vector<16xi1>
      %jit3A_112 = arith.constant 1 : i32
      %jit3A_113 = arith.constant 0 : i32
      %broadcast_in_dim3A_114 = vector.broadcast %jit3A_112 : i32 to vector<16xi32>
      %broadcast_in_dim3A_115 = vector.broadcast %jit3A_113 : i32 to vector<16xi32>
      %select_n3A_116 = arith.select %and3A_111, %broadcast_in_dim3A_114, %broadcast_in_dim3A_115 : vector<16xi1>, vector<16xi32>
      %add3A_117 = arith.addi %add3A_108, %select_n3A_116 : vector<16xi32>
      %mul3A_118 = arith.constant 4 : i32
      %mul3A_119 = arith.muli %scan3A_30, %mul3A_118 : i32
      %add3A_120 = arith.constant 1 : i32
      %add3A_121 = arith.addi %mul3A_119, %add3A_120 : i32
      %jit3A_122 = arith.constant 16 : i32
      %eq3A_123 = arith.constant 0 : i32
      %eq3A_124 = arith.cmpi eq, %jit3A_122, %eq3A_123 : i32
      %jit3A_125 = arith.constant 1 : i32
      %select_n3A_126 = arith.select %eq3A_124, %jit3A_125, %jit3A_122 : i32
      %rem3A_127 = arith.remsi %add3A_121, %select_n3A_126 : i32
      %ne3A_128 = arith.constant 0 : i32
      %ne3A_129 = arith.cmpi ne, %rem3A_127, %ne3A_128 : i32
      %lt3A_130 = arith.constant 0 : i32
      %lt3A_131 = arith.cmpi slt, %rem3A_127, %lt3A_130 : i32
      %lt3A_132 = arith.constant 0 : i32
      %lt3A_133 = arith.cmpi slt, %select_n3A_126, %lt3A_132 : i32
      %ne3A_134 = arith.xori %lt3A_131, %lt3A_133 : i1
      %and3A_135 = arith.andi %ne3A_134, %ne3A_129 : i1
      %add3A_136 = arith.addi %rem3A_127, %select_n3A_126 : i32
      %select_n3A_137 = arith.select %and3A_135, %add3A_136, %rem3A_127 : i32
      %jit3A_138 = arith.constant 16 : i32
      %div3A_139 = arith.divsi %add3A_121, %jit3A_138 : i32
      %sign3A_140 = arith.constant 0 : i32
      %sign3A_141 = arith.cmpi sgt, %add3A_121, %sign3A_140 : i32
      %sign3A_142 = arith.extui %sign3A_141 : i1 to i32
      %sign3A_143 = arith.constant 0 : i32
      %sign3A_144 = arith.cmpi slt, %add3A_121, %sign3A_143 : i32
      %sign3A_145 = arith.extui %sign3A_144 : i1 to i32
      %sign3A_146 = arith.subi %sign3A_142, %sign3A_145 : i32
      %sign3A_147 = arith.constant 0 : i32
      %sign3A_148 = arith.cmpi sgt, %jit3A_138, %sign3A_147 : i32
      %sign3A_149 = arith.extui %sign3A_148 : i1 to i32
      %sign3A_150 = arith.constant 0 : i32
      %sign3A_151 = arith.cmpi slt, %jit3A_138, %sign3A_150 : i32
      %sign3A_152 = arith.extui %sign3A_151 : i1 to i32
      %sign3A_153 = arith.subi %sign3A_149, %sign3A_152 : i32
      %ne3A_154 = arith.cmpi ne, %sign3A_146, %sign3A_153 : i32
      %rem3A_155 = arith.remsi %add3A_121, %jit3A_138 : i32
      %ne3A_156 = arith.constant 0 : i32
      %ne3A_157 = arith.cmpi ne, %rem3A_155, %ne3A_156 : i32
      %and3A_158 = arith.andi %ne3A_154, %ne3A_157 : i1
      %sub3A_159 = arith.constant 1 : i32
      %sub3A_160 = arith.subi %div3A_139, %sub3A_159 : i32
      %select_n3A_161 = arith.select %and3A_158, %sub3A_160, %div3A_139 : i32
      %mul3A_162 = arith.constant 1024 : i32
      %mul3A_163 = arith.muli %select_n3A_137, %mul3A_162 : i32
      %mul3A_164 = arith.constant 16 : i32
      %mul3A_165 = arith.muli %mul3A_164, %select_n3A_161 : i32
      %add3A_166 = arith.addi %mul3A_163, %mul3A_165 : i32
      %get3A_167 = arith.index_cast %add3A_166 : i32 to index
      %get3A_168 = tpu.vector_load %arg4[%get3A_167] {strides = array<i32>} : memref<16384xf32, #tpu.memory_space<vmem>>, vector<16xf32>,
      %get3A_169 = vector.shape_cast %get3A_168 : vector<16xf32> to vector<16xf32>
      %mul3A_170 = arith.constant 16 : i32
      %mul3A_171 = arith.muli %mul3A_170, %select_n3A_161 : i32
      %add3A_172 = vector.broadcast %mul3A_171 : i32 to vector<16xi32>
      %add3A_173 = arith.addi %add3A_172, %iota3A : vector<16xi32>
      %add3A_174 = vector.broadcast %select_n3A_137 : i32 to vector<16xi32>
      %add3A_175 = arith.addi %add3A_173, %add3A_174 : vector<16xi32>
      %ge3A_176 = arith.constant 1024 : i32
      %ge3A_177 = vector.broadcast %ge3A_176 : i32 to vector<16xi32>
      %ge3A_178 = arith.cmpi sge, %add3A_175, %ge3A_177 : vector<16xi32>
      %sub3A_179 = arith.constant 1024 : i32
      %sub3A_180 = vector.broadcast %sub3A_179 : i32 to vector<16xi32>
      %sub3A_181 = arith.subi %add3A_175, %sub3A_180 : vector<16xi32>
      %select_n3A_182 = arith.select %ge3A_178, %sub3A_181, %add3A_175 : vector<16xi1>, vector<16xi32>
      %gt3A_183 = arith.cmpf ogt, %get3A_169, %get3A_9 : vector<16xf32>
      %jit3A_184 = arith.constant 1 : i32
      %jit3A_185 = arith.constant 0 : i32
      %broadcast_in_dim3A_186 = vector.broadcast %jit3A_184 : i32 to vector<16xi32>
      %broadcast_in_dim3A_187 = vector.broadcast %jit3A_185 : i32 to vector<16xi32>
      %select_n3A_188 = arith.select %gt3A_183, %broadcast_in_dim3A_186, %broadcast_in_dim3A_187 : vector<16xi1>, vector<16xi32>
      %add3A_189 = arith.addi %add3A_101, %select_n3A_188 : vector<16xi32>
      %eq3A_190 = arith.cmpf oeq, %get3A_169, %get3A_9 : vector<16xf32>
      %gt3A_191 = arith.cmpi sgt, %select_n3A_182, %add3A_4 : vector<16xi32>
      %and3A_192 = arith.andi %eq3A_190, %gt3A_191 : vector<16xi1>
      %jit3A_193 = arith.constant 1 : i32
      %jit3A_194 = arith.constant 0 : i32
      %broadcast_in_dim3A_195 = vector.broadcast %jit3A_193 : i32 to vector<16xi32>
      %broadcast_in_dim3A_196 = vector.broadcast %jit3A_194 : i32 to vector<16xi32>
      %select_n3A_197 = arith.select %and3A_192, %broadcast_in_dim3A_195, %broadcast_in_dim3A_196 : vector<16xi1>, vector<16xi32>
      %add3A_198 = arith.addi %add3A_189, %select_n3A_197 : vector<16xi32>
      %gt3A_199 = arith.cmpf ogt, %get3A_169, %get3A_14 : vector<16xf32>
      %jit3A_200 = arith.constant 1 : i32
      %jit3A_201 = arith.constant 0 : i32
      %broadcast_in_dim3A_202 = vector.broadcast %jit3A_200 : i32 to vector<16xi32>
      %broadcast_in_dim3A_203 = vector.broadcast %jit3A_201 : i32 to vector<16xi32>
      %select_n3A_204 = arith.select %gt3A_199, %broadcast_in_dim3A_202, %broadcast_in_dim3A_203 : vector<16xi1>, vector<16xi32>
      %add3A_205 = arith.addi %add3A_117, %select_n3A_204 : vector<16xi32>
      %eq3A_206 = arith.cmpf oeq, %get3A_169, %get3A_14 : vector<16xf32>
      %gt3A_207 = arith.cmpi sgt, %select_n3A_182, %add3A_7 : vector<16xi32>
      %and3A_208 = arith.andi %eq3A_206, %gt3A_207 : vector<16xi1>
      %jit3A_209 = arith.constant 1 : i32
      %jit3A_210 = arith.constant 0 : i32
      %broadcast_in_dim3A_211 = vector.broadcast %jit3A_209 : i32 to vector<16xi32>
      %broadcast_in_dim3A_212 = vector.broadcast %jit3A_210 : i32 to vector<16xi32>
      %select_n3A_213 = arith.select %and3A_208, %broadcast_in_dim3A_211, %broadcast_in_dim3A_212 : vector<16xi1>, vector<16xi32>
      %add3A_214 = arith.addi %add3A_205, %select_n3A_213 : vector<16xi32>
      %mul3A_215 = arith.constant 4 : i32
      %mul3A_216 = arith.muli %scan3A_30, %mul3A_215 : i32
      %add3A_217 = arith.constant 2 : i32
      %add3A_218 = arith.addi %mul3A_216, %add3A_217 : i32
      %jit3A_219 = arith.constant 16 : i32
      %eq3A_220 = arith.constant 0 : i32
      %eq3A_221 = arith.cmpi eq, %jit3A_219, %eq3A_220 : i32
      %jit3A_222 = arith.constant 1 : i32
      %select_n3A_223 = arith.select %eq3A_221, %jit3A_222, %jit3A_219 : i32
      %rem3A_224 = arith.remsi %add3A_218, %select_n3A_223 : i32
      %ne3A_225 = arith.constant 0 : i32
      %ne3A_226 = arith.cmpi ne, %rem3A_224, %ne3A_225 : i32
      %lt3A_227 = arith.constant 0 : i32
      %lt3A_228 = arith.cmpi slt, %rem3A_224, %lt3A_227 : i32
      %lt3A_229 = arith.constant 0 : i32
      %lt3A_230 = arith.cmpi slt, %select_n3A_223, %lt3A_229 : i32
      %ne3A_231 = arith.xori %lt3A_228, %lt3A_230 : i1
      %and3A_232 = arith.andi %ne3A_231, %ne3A_226 : i1
      %add3A_233 = arith.addi %rem3A_224, %select_n3A_223 : i32
      %select_n3A_234 = arith.select %and3A_232, %add3A_233, %rem3A_224 : i32
      %jit3A_235 = arith.constant 16 : i32
      %div3A_236 = arith.divsi %add3A_218, %jit3A_235 : i32
      %sign3A_237 = arith.constant 0 : i32
      %sign3A_238 = arith.cmpi sgt, %add3A_218, %sign3A_237 : i32
      %sign3A_239 = arith.extui %sign3A_238 : i1 to i32
      %sign3A_240 = arith.constant 0 : i32
      %sign3A_241 = arith.cmpi slt, %add3A_218, %sign3A_240 : i32
      %sign3A_242 = arith.extui %sign3A_241 : i1 to i32
      %sign3A_243 = arith.subi %sign3A_239, %sign3A_242 : i32
      %sign3A_244 = arith.constant 0 : i32
      %sign3A_245 = arith.cmpi sgt, %jit3A_235, %sign3A_244 : i32
      %sign3A_246 = arith.extui %sign3A_245 : i1 to i32
      %sign3A_247 = arith.constant 0 : i32
      %sign3A_248 = arith.cmpi slt, %jit3A_235, %sign3A_247 : i32
      %sign3A_249 = arith.extui %sign3A_248 : i1 to i32
      %sign3A_250 = arith.subi %sign3A_246, %sign3A_249 : i32
      %ne3A_251 = arith.cmpi ne, %sign3A_243, %sign3A_250 : i32
      %rem3A_252 = arith.remsi %add3A_218, %jit3A_235 : i32
      %ne3A_253 = arith.constant 0 : i32
      %ne3A_254 = arith.cmpi ne, %rem3A_252, %ne3A_253 : i32
      %and3A_255 = arith.andi %ne3A_251, %ne3A_254 : i1
      %sub3A_256 = arith.constant 1 : i32
      %sub3A_257 = arith.subi %div3A_236, %sub3A_256 : i32
      %select_n3A_258 = arith.select %and3A_255, %sub3A_257, %div3A_236 : i32
      %mul3A_259 = arith.constant 1024 : i32
      %mul3A_260 = arith.muli %select_n3A_234, %mul3A_259 : i32
      %mul3A_261 = arith.constant 16 : i32
      %mul3A_262 = arith.muli %mul3A_261, %select_n3A_258 : i32
      %add3A_263 = arith.addi %mul3A_260, %mul3A_262 : i32
      %get3A_264 = arith.index_cast %add3A_263 : i32 to index
      %get3A_265 = tpu.vector_load %arg4[%get3A_264] {strides = array<i32>} : memref<16384xf32, #tpu.memory_space<vmem>>, vector<16xf32>,
      %get3A_266 = vector.shape_cast %get3A_265 : vector<16xf32> to vector<16xf32>
      %mul3A_267 = arith.constant 16 : i32
      %mul3A_268 = arith.muli %mul3A_267, %select_n3A_258 : i32
      %add3A_269 = vector.broadcast %mul3A_268 : i32 to vector<16xi32>
      %add3A_270 = arith.addi %add3A_269, %iota3A : vector<16xi32>
      %add3A_271 = vector.broadcast %select_n3A_234 : i32 to vector<16xi32>
      %add3A_272 = arith.addi %add3A_270, %add3A_271 : vector<16xi32>
      %ge3A_273 = arith.constant 1024 : i32
      %ge3A_274 = vector.broadcast %ge3A_273 : i32 to vector<16xi32>
      %ge3A_275 = arith.cmpi sge, %add3A_272, %ge3A_274 : vector<16xi32>
      %sub3A_276 = arith.constant 1024 : i32
      %sub3A_277 = vector.broadcast %sub3A_276 : i32 to vector<16xi32>
      %sub3A_278 = arith.subi %add3A_272, %sub3A_277 : vector<16xi32>
      %select_n3A_279 = arith.select %ge3A_275, %sub3A_278, %add3A_272 : vector<16xi1>, vector<16xi32>
      %gt3A_280 = arith.cmpf ogt, %get3A_266, %get3A_9 : vector<16xf32>
      %jit3A_281 = arith.constant 1 : i32
      %jit3A_282 = arith.constant 0 : i32
      %broadcast_in_dim3A_283 = vector.broadcast %jit3A_281 : i32 to vector<16xi32>
      %broadcast_in_dim3A_284 = vector.broadcast %jit3A_282 : i32 to vector<16xi32>
      %select_n3A_285 = arith.select %gt3A_280, %broadcast_in_dim3A_283, %broadcast_in_dim3A_284 : vector<16xi1>, vector<16xi32>
      %add3A_286 = arith.addi %add3A_198, %select_n3A_285 : vector<16xi32>
      %eq3A_287 = arith.cmpf oeq, %get3A_266, %get3A_9 : vector<16xf32>
      %gt3A_288 = arith.cmpi sgt, %select_n3A_279, %add3A_4 : vector<16xi32>
      %and3A_289 = arith.andi %eq3A_287, %gt3A_288 : vector<16xi1>
      %jit3A_290 = arith.constant 1 : i32
      %jit3A_291 = arith.constant 0 : i32
      %broadcast_in_dim3A_292 = vector.broadcast %jit3A_290 : i32 to vector<16xi32>
      %broadcast_in_dim3A_293 = vector.broadcast %jit3A_291 : i32 to vector<16xi32>
      %select_n3A_294 = arith.select %and3A_289, %broadcast_in_dim3A_292, %broadcast_in_dim3A_293 : vector<16xi1>, vector<16xi32>
      %add3A_295 = arith.addi %add3A_286, %select_n3A_294 : vector<16xi32>
      %gt3A_296 = arith.cmpf ogt, %get3A_266, %get3A_14 : vector<16xf32>
      %jit3A_297 = arith.constant 1 : i32
      %jit3A_298 = arith.constant 0 : i32
      %broadcast_in_dim3A_299 = vector.broadcast %jit3A_297 : i32 to vector<16xi32>
      %broadcast_in_dim3A_300 = vector.broadcast %jit3A_298 : i32 to vector<16xi32>
      %select_n3A_301 = arith.select %gt3A_296, %broadcast_in_dim3A_299, %broadcast_in_dim3A_300 : vector<16xi1>, vector<16xi32>
      %add3A_302 = arith.addi %add3A_214, %select_n3A_301 : vector<16xi32>
      %eq3A_303 = arith.cmpf oeq, %get3A_266, %get3A_14 : vector<16xf32>
      %gt3A_304 = arith.cmpi sgt, %select_n3A_279, %add3A_7 : vector<16xi32>
      %and3A_305 = arith.andi %eq3A_303, %gt3A_304 : vector<16xi1>
      %jit3A_306 = arith.constant 1 : i32
      %jit3A_307 = arith.constant 0 : i32
      %broadcast_in_dim3A_308 = vector.broadcast %jit3A_306 : i32 to vector<16xi32>
      %broadcast_in_dim3A_309 = vector.broadcast %jit3A_307 : i32 to vector<16xi32>
      %select_n3A_310 = arith.select %and3A_305, %broadcast_in_dim3A_308, %broadcast_in_dim3A_309 : vector<16xi1>, vector<16xi32>
      %add3A_311 = arith.addi %add3A_302, %select_n3A_310 : vector<16xi32>
      %mul3A_312 = arith.constant 4 : i32
      %mul3A_313 = arith.muli %scan3A_30, %mul3A_312 : i32
      %add3A_314 = arith.constant 3 : i32
      %add3A_315 = arith.addi %mul3A_313, %add3A_314 : i32
      %jit3A_316 = arith.constant 16 : i32
      %eq3A_317 = arith.constant 0 : i32
      %eq3A_318 = arith.cmpi eq, %jit3A_316, %eq3A_317 : i32
      %jit3A_319 = arith.constant 1 : i32
      %select_n3A_320 = arith.select %eq3A_318, %jit3A_319, %jit3A_316 : i32
      %rem3A_321 = arith.remsi %add3A_315, %select_n3A_320 : i32
      %ne3A_322 = arith.constant 0 : i32
      %ne3A_323 = arith.cmpi ne, %rem3A_321, %ne3A_322 : i32
      %lt3A_324 = arith.constant 0 : i32
      %lt3A_325 = arith.cmpi slt, %rem3A_321, %lt3A_324 : i32
      %lt3A_326 = arith.constant 0 : i32
      %lt3A_327 = arith.cmpi slt, %select_n3A_320, %lt3A_326 : i32
      %ne3A_328 = arith.xori %lt3A_325, %lt3A_327 : i1
      %and3A_329 = arith.andi %ne3A_328, %ne3A_323 : i1
      %add3A_330 = arith.addi %rem3A_321, %select_n3A_320 : i32
      %select_n3A_331 = arith.select %and3A_329, %add3A_330, %rem3A_321 : i32
      %jit3A_332 = arith.constant 16 : i32
      %div3A_333 = arith.divsi %add3A_315, %jit3A_332 : i32
      %sign3A_334 = arith.constant 0 : i32
      %sign3A_335 = arith.cmpi sgt, %add3A_315, %sign3A_334 : i32
      %sign3A_336 = arith.extui %sign3A_335 : i1 to i32
      %sign3A_337 = arith.constant 0 : i32
      %sign3A_338 = arith.cmpi slt, %add3A_315, %sign3A_337 : i32
      %sign3A_339 = arith.extui %sign3A_338 : i1 to i32
      %sign3A_340 = arith.subi %sign3A_336, %sign3A_339 : i32
      %sign3A_341 = arith.constant 0 : i32
      %sign3A_342 = arith.cmpi sgt, %jit3A_332, %sign3A_341 : i32
      %sign3A_343 = arith.extui %sign3A_342 : i1 to i32
      %sign3A_344 = arith.constant 0 : i32
      %sign3A_345 = arith.cmpi slt, %jit3A_332, %sign3A_344 : i32
      %sign3A_346 = arith.extui %sign3A_345 : i1 to i32
      %sign3A_347 = arith.subi %sign3A_343, %sign3A_346 : i32
      %ne3A_348 = arith.cmpi ne, %sign3A_340, %sign3A_347 : i32
      %rem3A_349 = arith.remsi %add3A_315, %jit3A_332 : i32
      %ne3A_350 = arith.constant 0 : i32
      %ne3A_351 = arith.cmpi ne, %rem3A_349, %ne3A_350 : i32
      %and3A_352 = arith.andi %ne3A_348, %ne3A_351 : i1
      %sub3A_353 = arith.constant 1 : i32
      %sub3A_354 = arith.subi %div3A_333, %sub3A_353 : i32
      %select_n3A_355 = arith.select %and3A_352, %sub3A_354, %div3A_333 : i32
      %mul3A_356 = arith.constant 1024 : i32
      %mul3A_357 = arith.muli %select_n3A_331, %mul3A_356 : i32
      %mul3A_358 = arith.constant 16 : i32
      %mul3A_359 = arith.muli %mul3A_358, %select_n3A_355 : i32
      %add3A_360 = arith.addi %mul3A_357, %mul3A_359 : i32
      %get3A_361 = arith.index_cast %add3A_360 : i32 to index
      %get3A_362 = tpu.vector_load %arg4[%get3A_361] {strides = array<i32>} : memref<16384xf32, #tpu.memory_space<vmem>>, vector<16xf32>,
      %get3A_363 = vector.shape_cast %get3A_362 : vector<16xf32> to vector<16xf32>
      %mul3A_364 = arith.constant 16 : i32
      %mul3A_365 = arith.muli %mul3A_364, %select_n3A_355 : i32
      %add3A_366 = vector.broadcast %mul3A_365 : i32 to vector<16xi32>
      %add3A_367 = arith.addi %add3A_366, %iota3A : vector<16xi32>
      %add3A_368 = vector.broadcast %select_n3A_331 : i32 to vector<16xi32>
      %add3A_369 = arith.addi %add3A_367, %add3A_368 : vector<16xi32>
      %ge3A_370 = arith.constant 1024 : i32
      %ge3A_371 = vector.broadcast %ge3A_370 : i32 to vector<16xi32>
      %ge3A_372 = arith.cmpi sge, %add3A_369, %ge3A_371 : vector<16xi32>
      %sub3A_373 = arith.constant 1024 : i32
      %sub3A_374 = vector.broadcast %sub3A_373 : i32 to vector<16xi32>
      %sub3A_375 = arith.subi %add3A_369, %sub3A_374 : vector<16xi32>
      %select_n3A_376 = arith.select %ge3A_372, %sub3A_375, %add3A_369 : vector<16xi1>, vector<16xi32>
      %gt3A_377 = arith.cmpf ogt, %get3A_363, %get3A_9 : vector<16xf32>
      %jit3A_378 = arith.constant 1 : i32
      %jit3A_379 = arith.constant 0 : i32
      %broadcast_in_dim3A_380 = vector.broadcast %jit3A_378 : i32 to vector<16xi32>
      %broadcast_in_dim3A_381 = vector.broadcast %jit3A_379 : i32 to vector<16xi32>
      %select_n3A_382 = arith.select %gt3A_377, %broadcast_in_dim3A_380, %broadcast_in_dim3A_381 : vector<16xi1>, vector<16xi32>
      %add3A_383 = arith.addi %add3A_295, %select_n3A_382 : vector<16xi32>
      %eq3A_384 = arith.cmpf oeq, %get3A_363, %get3A_9 : vector<16xf32>
      %gt3A_385 = arith.cmpi sgt, %select_n3A_376, %add3A_4 : vector<16xi32>
      %and3A_386 = arith.andi %eq3A_384, %gt3A_385 : vector<16xi1>
      %jit3A_387 = arith.constant 1 : i32
      %jit3A_388 = arith.constant 0 : i32
      %broadcast_in_dim3A_389 = vector.broadcast %jit3A_387 : i32 to vector<16xi32>
      %broadcast_in_dim3A_390 = vector.broadcast %jit3A_388 : i32 to vector<16xi32>
      %select_n3A_391 = arith.select %and3A_386, %broadcast_in_dim3A_389, %broadcast_in_dim3A_390 : vector<16xi1>, vector<16xi32>
      %add3A_392 = arith.addi %add3A_383, %select_n3A_391 : vector<16xi32>
      %gt3A_393 = arith.cmpf ogt, %get3A_363, %get3A_14 : vector<16xf32>
      %jit3A_394 = arith.constant 1 : i32
      %jit3A_395 = arith.constant 0 : i32
      %broadcast_in_dim3A_396 = vector.broadcast %jit3A_394 : i32 to vector<16xi32>
      %broadcast_in_dim3A_397 = vector.broadcast %jit3A_395 : i32 to vector<16xi32>
      %select_n3A_398 = arith.select %gt3A_393, %broadcast_in_dim3A_396, %broadcast_in_dim3A_397 : vector<16xi1>, vector<16xi32>
      %add3A_399 = arith.addi %add3A_311, %select_n3A_398 : vector<16xi32>
      %eq3A_400 = arith.cmpf oeq, %get3A_363, %get3A_14 : vector<16xf32>
      %gt3A_401 = arith.cmpi sgt, %select_n3A_376, %add3A_7 : vector<16xi32>
      %and3A_402 = arith.andi %eq3A_400, %gt3A_401 : vector<16xi1>
      %jit3A_403 = arith.constant 1 : i32
      %jit3A_404 = arith.constant 0 : i32
      %broadcast_in_dim3A_405 = vector.broadcast %jit3A_403 : i32 to vector<16xi32>
      %broadcast_in_dim3A_406 = vector.broadcast %jit3A_404 : i32 to vector<16xi32>
      %select_n3A_407 = arith.select %and3A_402, %broadcast_in_dim3A_405, %broadcast_in_dim3A_406 : vector<16xi1>, vector<16xi32>
      %add3A_408 = arith.addi %add3A_399, %select_n3A_407 : vector<16xi32>
      scf.yield %add3A_392, %add3A_408 : vector<16xi32>, vector<16xi32>
    }
    %scan3A_20 = arith.constant 256 : i32
    %swap3A = arith.constant 0 : index
    %swap3A_21 = tpu.vector_load %arg5[%swap3A] {strides = array<i32>} : memref<32xi32, #tpu.memory_space<vmem>>, vector<16xi32>,
    %swap3A_22 = vector.shape_cast %swap3A_21 : vector<16xi32> to vector<16xi32>
    %swap3A_23 = vector.shape_cast %scan3A_19#0 : vector<16xi32> to vector<16xi32>
    tpu.vector_store %arg5[%swap3A], %swap3A_23 {strides = array<i32>} : memref<32xi32, #tpu.memory_space<vmem>>, vector<16xi32>,
    %swap3A_24 = arith.constant 16 : index
    %swap3A_25 = tpu.vector_load %arg5[%swap3A_24] {strides = array<i32>} : memref<32xi32, #tpu.memory_space<vmem>>, vector<16xi32>,
    %swap3A_26 = vector.shape_cast %swap3A_25 : vector<16xi32> to vector<16xi32>
    %swap3A_27 = vector.shape_cast %scan3A_19#1 : vector<16xi32> to vector<16xi32>
    tpu.vector_store %arg5[%swap3A_24], %swap3A_27 {strides = array<i32>} : memref<32xi32, #tpu.memory_space<vmem>>, vector<16xi32>,
    %mul3A_28 = arith.constant 32 : i32
    %mul3A_29 = arith.muli %add3A, %mul3A_28 : i32
    "tpu.region"() ({
      %run_scoped3A = tpu.sem_alloc : memref<!tpu.dma_semaphore, #tpu.memory_space<semaphore_mem>>
      %dma_start3A = tpu.memref_slice %arg3[%mul3A_29] : memref<1024xi32, #tpu.memory_space<hbm>> -> memref<32xi32, #tpu.memory_space<hbm>>
      %dma_start3A_30 = tpu.memref_slice %arg3[%mul3A_29] : memref<1024xi32, #tpu.memory_space<hbm>> -> memref<32xi32, #tpu.memory_space<hbm>>
      tpu.enqueue_dma source(%arg5 : memref<32xi32, #tpu.memory_space<vmem>>) target(%dma_start3A_30 : memref<32xi32, #tpu.memory_space<hbm>>) target_semaphore(%run_scoped3A : memref<!tpu.dma_semaphore, #tpu.memory_space<semaphore_mem>>)
      %dma_wait3A = tpu.memref_slice %arg3[%mul3A_29] : memref<1024xi32, #tpu.memory_space<hbm>> -> memref<32xi32, #tpu.memory_space<hbm>>
      %dma_wait3A_31 = tpu.memref_slice %arg3[%mul3A_29] : memref<1024xi32, #tpu.memory_space<hbm>> -> memref<32xi32, #tpu.memory_space<hbm>>
      tpu.wait_dma2 semaphore(%run_scoped3A : memref<!tpu.dma_semaphore, #tpu.memory_space<semaphore_mem>>) src(%arg5 : memref<32xi32, #tpu.memory_space<vmem>>) dst(%dma_wait3A_31 : memref<32xi32, #tpu.memory_space<hbm>>)
      tpu.yield
    }) : () -> ()
    return
  }
}

module attributes {stable_mosaic.version = 14 : i64} {
  func.func @_rot_kernel(%arg0: memref<1x1024xf32, #tpu.memory_space<vmem>>, %arg1: memref<16x1024xf32, #tpu.memory_space<vmem>>) attributes {dimension_semantics = [], scalar_prefetch = 0 : i64, scratch_operands = 0 : i64, tpu.core_type = #tpu.core_type<tc>} {
    %get3A = arith.constant 0 : index
    %get3A_0 = arith.constant 0 : index
    %get3A_1 = vector.load %arg0[%get3A, %get3A_0] : memref<1x1024xf32, #tpu.memory_space<vmem>>, vector<1x1024xf32>
    %slice3A = vector.extract_strided_slice %get3A_1 {offsets = [0, 1], sizes = [1, 1023], strides = [1, 1]} : vector<1x1024xf32> to vector<1x1023xf32>
    %slice3A_2 = vector.extract_strided_slice %get3A_1 {offsets = [0, 0], sizes = [1, 1], strides = [1, 1]} : vector<1x1024xf32> to vector<1x1xf32>
    %concatenate3A = tpu.concatenate %slice3A, %slice3A_2 in 1 : vector<1x1023xf32>, vector<1x1xf32> -> vector<1x1024xf32>
    %slice3A_3 = vector.extract_strided_slice %get3A_1 {offsets = [0, 2], sizes = [1, 1022], strides = [1, 1]} : vector<1x1024xf32> to vector<1x1022xf32>
    %slice3A_4 = vector.extract_strided_slice %get3A_1 {offsets = [0, 0], sizes = [1, 2], strides = [1, 1]} : vector<1x1024xf32> to vector<1x2xf32>
    %concatenate3A_5 = tpu.concatenate %slice3A_3, %slice3A_4 in 1 : vector<1x1022xf32>, vector<1x2xf32> -> vector<1x1024xf32>
    %slice3A_6 = vector.extract_strided_slice %get3A_1 {offsets = [0, 3], sizes = [1, 1021], strides = [1, 1]} : vector<1x1024xf32> to vector<1x1021xf32>
    %slice3A_7 = vector.extract_strided_slice %get3A_1 {offsets = [0, 0], sizes = [1, 3], strides = [1, 1]} : vector<1x1024xf32> to vector<1x3xf32>
    %concatenate3A_8 = tpu.concatenate %slice3A_6, %slice3A_7 in 1 : vector<1x1021xf32>, vector<1x3xf32> -> vector<1x1024xf32>
    %slice3A_9 = vector.extract_strided_slice %get3A_1 {offsets = [0, 4], sizes = [1, 1020], strides = [1, 1]} : vector<1x1024xf32> to vector<1x1020xf32>
    %slice3A_10 = vector.extract_strided_slice %get3A_1 {offsets = [0, 0], sizes = [1, 4], strides = [1, 1]} : vector<1x1024xf32> to vector<1x4xf32>
    %concatenate3A_11 = tpu.concatenate %slice3A_9, %slice3A_10 in 1 : vector<1x1020xf32>, vector<1x4xf32> -> vector<1x1024xf32>
    %slice3A_12 = vector.extract_strided_slice %get3A_1 {offsets = [0, 5], sizes = [1, 1019], strides = [1, 1]} : vector<1x1024xf32> to vector<1x1019xf32>
    %slice3A_13 = vector.extract_strided_slice %get3A_1 {offsets = [0, 0], sizes = [1, 5], strides = [1, 1]} : vector<1x1024xf32> to vector<1x5xf32>
    %concatenate3A_14 = tpu.concatenate %slice3A_12, %slice3A_13 in 1 : vector<1x1019xf32>, vector<1x5xf32> -> vector<1x1024xf32>
    %slice3A_15 = vector.extract_strided_slice %get3A_1 {offsets = [0, 6], sizes = [1, 1018], strides = [1, 1]} : vector<1x1024xf32> to vector<1x1018xf32>
    %slice3A_16 = vector.extract_strided_slice %get3A_1 {offsets = [0, 0], sizes = [1, 6], strides = [1, 1]} : vector<1x1024xf32> to vector<1x6xf32>
    %concatenate3A_17 = tpu.concatenate %slice3A_15, %slice3A_16 in 1 : vector<1x1018xf32>, vector<1x6xf32> -> vector<1x1024xf32>
    %slice3A_18 = vector.extract_strided_slice %get3A_1 {offsets = [0, 7], sizes = [1, 1017], strides = [1, 1]} : vector<1x1024xf32> to vector<1x1017xf32>
    %slice3A_19 = vector.extract_strided_slice %get3A_1 {offsets = [0, 0], sizes = [1, 7], strides = [1, 1]} : vector<1x1024xf32> to vector<1x7xf32>
    %concatenate3A_20 = tpu.concatenate %slice3A_18, %slice3A_19 in 1 : vector<1x1017xf32>, vector<1x7xf32> -> vector<1x1024xf32>
    %slice3A_21 = vector.extract_strided_slice %get3A_1 {offsets = [0, 8], sizes = [1, 1016], strides = [1, 1]} : vector<1x1024xf32> to vector<1x1016xf32>
    %slice3A_22 = vector.extract_strided_slice %get3A_1 {offsets = [0, 0], sizes = [1, 8], strides = [1, 1]} : vector<1x1024xf32> to vector<1x8xf32>
    %concatenate3A_23 = tpu.concatenate %slice3A_21, %slice3A_22 in 1 : vector<1x1016xf32>, vector<1x8xf32> -> vector<1x1024xf32>
    %slice3A_24 = vector.extract_strided_slice %get3A_1 {offsets = [0, 9], sizes = [1, 1015], strides = [1, 1]} : vector<1x1024xf32> to vector<1x1015xf32>
    %slice3A_25 = vector.extract_strided_slice %get3A_1 {offsets = [0, 0], sizes = [1, 9], strides = [1, 1]} : vector<1x1024xf32> to vector<1x9xf32>
    %concatenate3A_26 = tpu.concatenate %slice3A_24, %slice3A_25 in 1 : vector<1x1015xf32>, vector<1x9xf32> -> vector<1x1024xf32>
    %slice3A_27 = vector.extract_strided_slice %get3A_1 {offsets = [0, 10], sizes = [1, 1014], strides = [1, 1]} : vector<1x1024xf32> to vector<1x1014xf32>
    %slice3A_28 = vector.extract_strided_slice %get3A_1 {offsets = [0, 0], sizes = [1, 10], strides = [1, 1]} : vector<1x1024xf32> to vector<1x10xf32>
    %concatenate3A_29 = tpu.concatenate %slice3A_27, %slice3A_28 in 1 : vector<1x1014xf32>, vector<1x10xf32> -> vector<1x1024xf32>
    %slice3A_30 = vector.extract_strided_slice %get3A_1 {offsets = [0, 11], sizes = [1, 1013], strides = [1, 1]} : vector<1x1024xf32> to vector<1x1013xf32>
    %slice3A_31 = vector.extract_strided_slice %get3A_1 {offsets = [0, 0], sizes = [1, 11], strides = [1, 1]} : vector<1x1024xf32> to vector<1x11xf32>
    %concatenate3A_32 = tpu.concatenate %slice3A_30, %slice3A_31 in 1 : vector<1x1013xf32>, vector<1x11xf32> -> vector<1x1024xf32>
    %slice3A_33 = vector.extract_strided_slice %get3A_1 {offsets = [0, 12], sizes = [1, 1012], strides = [1, 1]} : vector<1x1024xf32> to vector<1x1012xf32>
    %slice3A_34 = vector.extract_strided_slice %get3A_1 {offsets = [0, 0], sizes = [1, 12], strides = [1, 1]} : vector<1x1024xf32> to vector<1x12xf32>
    %concatenate3A_35 = tpu.concatenate %slice3A_33, %slice3A_34 in 1 : vector<1x1012xf32>, vector<1x12xf32> -> vector<1x1024xf32>
    %slice3A_36 = vector.extract_strided_slice %get3A_1 {offsets = [0, 13], sizes = [1, 1011], strides = [1, 1]} : vector<1x1024xf32> to vector<1x1011xf32>
    %slice3A_37 = vector.extract_strided_slice %get3A_1 {offsets = [0, 0], sizes = [1, 13], strides = [1, 1]} : vector<1x1024xf32> to vector<1x13xf32>
    %concatenate3A_38 = tpu.concatenate %slice3A_36, %slice3A_37 in 1 : vector<1x1011xf32>, vector<1x13xf32> -> vector<1x1024xf32>
    %slice3A_39 = vector.extract_strided_slice %get3A_1 {offsets = [0, 14], sizes = [1, 1010], strides = [1, 1]} : vector<1x1024xf32> to vector<1x1010xf32>
    %slice3A_40 = vector.extract_strided_slice %get3A_1 {offsets = [0, 0], sizes = [1, 14], strides = [1, 1]} : vector<1x1024xf32> to vector<1x14xf32>
    %concatenate3A_41 = tpu.concatenate %slice3A_39, %slice3A_40 in 1 : vector<1x1010xf32>, vector<1x14xf32> -> vector<1x1024xf32>
    %slice3A_42 = vector.extract_strided_slice %get3A_1 {offsets = [0, 15], sizes = [1, 1009], strides = [1, 1]} : vector<1x1024xf32> to vector<1x1009xf32>
    %slice3A_43 = vector.extract_strided_slice %get3A_1 {offsets = [0, 0], sizes = [1, 15], strides = [1, 1]} : vector<1x1024xf32> to vector<1x15xf32>
    %concatenate3A_44 = tpu.concatenate %slice3A_42, %slice3A_43 in 1 : vector<1x1009xf32>, vector<1x15xf32> -> vector<1x1024xf32>
    %concatenate3A_45 = tpu.concatenate %get3A_1, %concatenate3A, %concatenate3A_5, %concatenate3A_8, %concatenate3A_11, %concatenate3A_14, %concatenate3A_17, %concatenate3A_20, %concatenate3A_23, %concatenate3A_26, %concatenate3A_29, %concatenate3A_32, %concatenate3A_35, %concatenate3A_38, %concatenate3A_41, %concatenate3A_44 in 0 : vector<1x1024xf32>, vector<1x1024xf32>, vector<1x1024xf32>, vector<1x1024xf32>, vector<1x1024xf32>, vector<1x1024xf32>, vector<1x1024xf32>, vector<1x1024xf32>, vector<1x1024xf32>, vector<1x1024xf32>, vector<1x1024xf32>, vector<1x1024xf32>, vector<1x1024xf32>, vector<1x1024xf32>, vector<1x1024xf32>, vector<1x1024xf32> -> vector<16x1024xf32>
    %swap3A = arith.constant 0 : index
    %swap3A_46 = arith.constant 0 : index
    %swap3A_47 = vector.load %arg1[%swap3A, %swap3A_46] : memref<16x1024xf32, #tpu.memory_space<vmem>>, vector<16x1024xf32>
    tpu.vector_store %arg1[%swap3A, %swap3A_46], %concatenate3A_45 {strides = array<i32>} : memref<16x1024xf32, #tpu.memory_space<vmem>>, vector<16x1024xf32>,
    return
  }
}

module attributes {stable_mosaic.version = 14 : i64} {
  func.func @_estep_kernel(%arg0: i32, %arg1: memref<2048x256xf32, #tpu.memory_space<vmem>>, %arg2: memref<1024x256xf32, #tpu.memory_space<vmem>>, %arg3: memref<1x1024xf32, #tpu.memory_space<vmem>>, %arg4: memref<1x1024xf32, #tpu.memory_space<vmem>>, %arg5: memref<2048x1xf32, #tpu.memory_space<vmem>>, %arg6: memref<1x1024xf32, #tpu.memory_space<vmem>>, %arg7: memref<1024x256xf32, #tpu.memory_space<vmem>>) attributes {dimension_semantics = [#tpu.dimension_semantics<arbitrary>], iteration_bounds = array<i64: 8>, scalar_prefetch = 0 : i64, scratch_operands = 0 : i64, tpu.core_type = #tpu.core_type<tc>, window_params = [{transform_indices = @transform_0, window_bounds = array<i64: 2048, 256>}, {pipeline_mode = #tpu.pipeline_mode<synchronous>, transform_indices = @transform_1, window_bounds = array<i64: 1024, 256>}, {pipeline_mode = #tpu.pipeline_mode<synchronous>, transform_indices = @transform_2, window_bounds = array<i64: 1, 1024>}, {pipeline_mode = #tpu.pipeline_mode<synchronous>, transform_indices = @transform_3, window_bounds = array<i64: 1, 1024>}, {transform_indices = @transform_4, window_bounds = array<i64: 2048, 1>}, {pipeline_mode = #tpu.pipeline_mode<synchronous>, transform_indices = @transform_5, window_bounds = array<i64: 1, 1024>}, {pipeline_mode = #tpu.pipeline_mode<synchronous>, transform_indices = @transform_6, window_bounds = array<i64: 1024, 256>}]} {
    %get3A = arith.constant 0 : index
    %get3A_0 = arith.constant 0 : index
    %get3A_1 = vector.load %arg1[%get3A, %get3A_0] : memref<2048x256xf32, #tpu.memory_space<vmem>>, vector<2048x256xf32>
    %get3A_2 = arith.constant 0 : index
    %get3A_3 = arith.constant 0 : index
    %get3A_4 = vector.load %arg2[%get3A_2, %get3A_3] : memref<1024x256xf32, #tpu.memory_space<vmem>>, vector<1024x256xf32>
    %mul3A = arith.mulf %get3A_1, %get3A_1 : vector<2048x256xf32>
    %reduce_sum3A = arith.constant dense<0.000000e+00> : vector<2048xf32>
    %reduce_sum3A_5 = vector.multi_reduction <add>, %mul3A, %reduce_sum3A [1] : vector<2048x256xf32> to vector<2048xf32>
    %broadcast_in_dim3A = vector.shape_cast %reduce_sum3A_5 : vector<2048xf32> to vector<2048x1xf32>
    %convert_element_type3A = arith.truncf %get3A_1 : vector<2048x256xf32> to vector<2048x256xbf16>
    %convert_element_type3A_6 = arith.truncf %get3A_4 : vector<1024x256xf32> to vector<1024x256xbf16>
    %dot_general3A = arith.constant dense<0.000000e+00> : vector<2048x1024xf32>
    %dot_general3A_7 = tpu.matmul %convert_element_type3A, %convert_element_type3A_6, %dot_general3A {dimension_numbers = #tpu.dot_dimension_numbers<[1], [1], [0], [0], [0, 0, 1, 0], [], []>, transpose_lhs_hint = false} : vector<2048x256xbf16>, vector<1024x256xbf16>, vector<2048x1024xf32> -> vector<2048x1024xf32>
    %mul3A_8 = arith.constant 2.000000e+00 : f32
    %mul3A_9 = vector.broadcast %mul3A_8 : f32 to vector<2048x1024xf32>
    %mul3A_10 = arith.mulf %mul3A_9, %dot_general3A_7 : vector<2048x1024xf32>
    %sub3A = vector.broadcast %broadcast_in_dim3A : vector<2048x1xf32> to vector<2048x1024xf32>
    %sub3A_11 = arith.subf %sub3A, %mul3A_10 : vector<2048x1024xf32>
    %get3A_12 = arith.constant 0 : index
    %get3A_13 = arith.constant 0 : index
    %get3A_14 = vector.load %arg4[%get3A_12, %get3A_13] : memref<1x1024xf32, #tpu.memory_space<vmem>>, vector<1x1024xf32>
    %add3A = vector.broadcast %get3A_14 : vector<1x1024xf32> to vector<2048x1024xf32>
    %add3A_15 = arith.addf %sub3A_11, %add3A : vector<2048x1024xf32>
    %get3A_16 = arith.constant 0 : index
    %get3A_17 = arith.constant 0 : index
    %get3A_18 = vector.load %arg3[%get3A_16, %get3A_17] : memref<1x1024xf32, #tpu.memory_space<vmem>>, vector<1x1024xf32>
    %mul3A_19 = arith.constant 5.000000e-01 : f32
    %mul3A_20 = vector.broadcast %mul3A_19 : f32 to vector<2048x1024xf32>
    %mul3A_21 = arith.mulf %mul3A_20, %add3A_15 : vector<2048x1024xf32>
    %sub3A_22 = vector.broadcast %get3A_18 : vector<1x1024xf32> to vector<2048x1024xf32>
    %sub3A_23 = arith.subf %sub3A_22, %mul3A_21 : vector<2048x1024xf32>
    %sub3A_24 = arith.constant 235.248276 : f32
    %sub3A_25 = vector.broadcast %sub3A_24 : f32 to vector<2048x1024xf32>
    %sub3A_26 = arith.subf %sub3A_23, %sub3A_25 : vector<2048x1024xf32>
    %reduce_max3A = arith.constant dense<0xFF800000> : vector<2048xf32>
    %reduce_max3A_27 = vector.multi_reduction <maximumf>, %sub3A_26, %reduce_max3A [1] : vector<2048x1024xf32> to vector<2048xf32>
    %broadcast_in_dim3A_28 = vector.shape_cast %reduce_max3A_27 : vector<2048xf32> to vector<2048x1xf32>
    %sub3A_29 = vector.broadcast %broadcast_in_dim3A_28 : vector<2048x1xf32> to vector<2048x1024xf32>
    %sub3A_30 = arith.subf %sub3A_26, %sub3A_29 : vector<2048x1024xf32>
    %exp3A = math.exp %sub3A_30 : vector<2048x1024xf32>
    %reduce_sum3A_31 = arith.constant dense<0.000000e+00> : vector<2048xf32>
    %reduce_sum3A_32 = vector.multi_reduction <add>, %exp3A, %reduce_sum3A_31 [1] : vector<2048x1024xf32> to vector<2048xf32>
    %broadcast_in_dim3A_33 = vector.shape_cast %reduce_sum3A_32 : vector<2048xf32> to vector<2048x1xf32>
    %log3A = math.log %broadcast_in_dim3A_33 : vector<2048x1xf32>
    %add3A_34 = arith.addf %broadcast_in_dim3A_28, %log3A : vector<2048x1xf32>
    %swap3A = arith.constant 0 : index
    %swap3A_35 = arith.constant 0 : index
    %swap3A_36 = vector.load %arg5[%swap3A, %swap3A_35] : memref<2048x1xf32, #tpu.memory_space<vmem>>, vector<2048x1xf32>
    tpu.vector_store %arg5[%swap3A, %swap3A_35], %add3A_34 {strides = array<i32>} : memref<2048x1xf32, #tpu.memory_space<vmem>>, vector<2048x1xf32>,
    %div3A = vector.broadcast %broadcast_in_dim3A_33 : vector<2048x1xf32> to vector<2048x1024xf32>
    %div3A_37 = arith.divf %exp3A, %div3A : vector<2048x1024xf32>
    %eq3A = arith.constant 0 : i32
    %eq3A_38 = arith.cmpi eq, %arg0, %eq3A : i32
    %convert_element_type3A_39 = arith.extui %eq3A_38 : i1 to i32
    %cond3A = arith.constant 0 : i32
    %cond3A_40 = arith.cmpi ne, %convert_element_type3A_39, %cond3A : i32
    scf.if %cond3A_40 {
      %broadcast_in_dim3A_587 = arith.constant 0.000000e+00 : f32
      %broadcast_in_dim3A_588 = vector.broadcast %broadcast_in_dim3A_587 : f32 to vector<1x1024xf32>
      %swap3A_589 = arith.constant 0 : index
      %swap3A_590 = arith.constant 0 : index
      %swap3A_591 = vector.load %arg6[%swap3A_589, %swap3A_590] : memref<1x1024xf32, #tpu.memory_space<vmem>>, vector<1x1024xf32>
      tpu.vector_store %arg6[%swap3A_589, %swap3A_590], %broadcast_in_dim3A_588 {strides = array<i32>} : memref<1x1024xf32, #tpu.memory_space<vmem>>, vector<1x1024xf32>,
      %broadcast_in_dim3A_592 = arith.constant 0.000000e+00 : f32
      %broadcast_in_dim3A_593 = vector.broadcast %broadcast_in_dim3A_592 : f32 to vector<1024x256xf32>
      %swap3A_594 = arith.constant 0 : index
      %swap3A_595 = arith.constant 0 : index
      %swap3A_596 = vector.load %arg7[%swap3A_594, %swap3A_595] : memref<1024x256xf32, #tpu.memory_space<vmem>>, vector<1024x256xf32>
      tpu.vector_store %arg7[%swap3A_594, %swap3A_595], %broadcast_in_dim3A_593 {strides = array<i32>} : memref<1024x256xf32, #tpu.memory_space<vmem>>, vector<1024x256xf32>,
    } else {
    }
    %get3A_41 = arith.constant 0 : index
    %get3A_42 = arith.constant 0 : index
    %get3A_43 = vector.load %arg6[%get3A_41, %get3A_42] : memref<1x1024xf32, #tpu.memory_space<vmem>>, vector<1x1024xf32>
    %slice3A = vector.extract_strided_slice %div3A_37 {offsets = [0, 0], sizes = [8, 1024], strides = [1, 1]} : vector<2048x1024xf32> to vector<8x1024xf32>
    %slice3A_44 = vector.extract_strided_slice %div3A_37 {offsets = [8, 0], sizes = [8, 1024], strides = [1, 1]} : vector<2048x1024xf32> to vector<8x1024xf32>
    %add3A_45 = arith.addf %slice3A, %slice3A_44 : vector<8x1024xf32>
    %slice3A_46 = vector.extract_strided_slice %div3A_37 {offsets = [16, 0], sizes = [8, 1024], strides = [1, 1]} : vector<2048x1024xf32> to vector<8x1024xf32>
    %add3A_47 = arith.addf %add3A_45, %slice3A_46 : vector<8x1024xf32>
    %slice3A_48 = vector.extract_strided_slice %div3A_37 {offsets = [24, 0], sizes = [8, 1024], strides = [1, 1]} : vector<2048x1024xf32> to vector<8x1024xf32>
    %add3A_49 = arith.addf %add3A_47, %slice3A_48 : vector<8x1024xf32>
    %slice3A_50 = vector.extract_strided_slice %div3A_37 {offsets = [32, 0], sizes = [8, 1024], strides = [1, 1]} : vector<2048x1024xf32> to vector<8x1024xf32>
    %add3A_51 = arith.addf %add3A_49, %slice3A_50 : vector<8x1024xf32>
    %slice3A_52 = vector.extract_strided_slice %div3A_37 {offsets = [40, 0], sizes = [8, 1024], strides = [1, 1]} : vector<2048x1024xf32> to vector<8x1024xf32>
    %add3A_53 = arith.addf %add3A_51, %slice3A_52 : vector<8x1024xf32>
    %slice3A_54 = vector.extract_strided_slice %div3A_37 {offsets = [48, 0], sizes = [8, 1024], strides = [1, 1]} : vector<2048x1024xf32> to vector<8x1024xf32>
    %add3A_55 = arith.addf %add3A_53, %slice3A_54 : vector<8x1024xf32>
    %slice3A_56 = vector.extract_strided_slice %div3A_37 {offsets = [56, 0], sizes = [8, 1024], strides = [1, 1]} : vector<2048x1024xf32> to vector<8x1024xf32>
    %add3A_57 = arith.addf %add3A_55, %slice3A_56 : vector<8x1024xf32>
    %slice3A_58 = vector.extract_strided_slice %div3A_37 {offsets = [64, 0], sizes = [8, 1024], strides = [1, 1]} : vector<2048x1024xf32> to vector<8x1024xf32>
    %add3A_59 = arith.addf %add3A_57, %slice3A_58 : vector<8x1024xf32>
    %slice3A_60 = vector.extract_strided_slice %div3A_37 {offsets = [72, 0], sizes = [8, 1024], strides = [1, 1]} : vector<2048x1024xf32> to vector<8x1024xf32>
    %add3A_61 = arith.addf %add3A_59, %slice3A_60 : vector<8x1024xf32>
    %slice3A_62 = vector.extract_strided_slice %div3A_37 {offsets = [80, 0], sizes = [8, 1024], strides = [1, 1]} : vector<2048x1024xf32> to vector<8x1024xf32>
    %add3A_63 = arith.addf %add3A_61, %slice3A_62 : vector<8x1024xf32>
    %slice3A_64 = vector.extract_strided_slice %div3A_37 {offsets = [88, 0], sizes = [8, 1024], strides = [1, 1]} : vector<2048x1024xf32> to vector<8x1024xf32>
    %add3A_65 = arith.addf %add3A_63, %slice3A_64 : vector<8x1024xf32>
    %slice3A_66 = vector.extract_strided_slice %div3A_37 {offsets = [96, 0], sizes = [8, 1024], strides = [1, 1]} : vector<2048x1024xf32> to vector<8x1024xf32>
    %add3A_67 = arith.addf %add3A_65, %slice3A_66 : vector<8x1024xf32>
    %slice3A_68 = vector.extract_strided_slice %div3A_37 {offsets = [104, 0], sizes = [8, 1024], strides = [1, 1]} : vector<2048x1024xf32> to vector<8x1024xf32>
    %add3A_69 = arith.addf %add3A_67, %slice3A_68 : vector<8x1024xf32>
    %slice3A_70 = vector.extract_strided_slice %div3A_37 {offsets = [112, 0], sizes = [8, 1024], strides = [1, 1]} : vector<2048x1024xf32> to vector<8x1024xf32>
    %add3A_71 = arith.addf %add3A_69, %slice3A_70 : vector<8x1024xf32>
    %slice3A_72 = vector.extract_strided_slice %div3A_37 {offsets = [120, 0], sizes = [8, 1024], strides = [1, 1]} : vector<2048x1024xf32> to vector<8x1024xf32>
    %add3A_73 = arith.addf %add3A_71, %slice3A_72 : vector<8x1024xf32>
    %slice3A_74 = vector.extract_strided_slice %div3A_37 {offsets = [128, 0], sizes = [8, 1024], strides = [1, 1]} : vector<2048x1024xf32> to vector<8x1024xf32>
    %add3A_75 = arith.addf %add3A_73, %slice3A_74 : vector<8x1024xf32>
    %slice3A_76 = vector.extract_strided_slice %div3A_37 {offsets = [136, 0], sizes = [8, 1024], strides = [1, 1]} : vector<2048x1024xf32> to vector<8x1024xf32>
    %add3A_77 = arith.addf %add3A_75, %slice3A_76 : vector<8x1024xf32>
    %slice3A_78 = vector.extract_strided_slice %div3A_37 {offsets = [144, 0], sizes = [8, 1024], strides = [1, 1]} : vector<2048x1024xf32> to vector<8x1024xf32>
    %add3A_79 = arith.addf %add3A_77, %slice3A_78 : vector<8x1024xf32>
    %slice3A_80 = vector.extract_strided_slice %div3A_37 {offsets = [152, 0], sizes = [8, 1024], strides = [1, 1]} : vector<2048x1024xf32> to vector<8x1024xf32>
    %add3A_81 = arith.addf %add3A_79, %slice3A_80 : vector<8x1024xf32>
    %slice3A_82 = vector.extract_strided_slice %div3A_37 {offsets = [160, 0], sizes = [8, 1024], strides = [1, 1]} : vector<2048x1024xf32> to vector<8x1024xf32>
    %add3A_83 = arith.addf %add3A_81, %slice3A_82 : vector<8x1024xf32>
    %slice3A_84 = vector.extract_strided_slice %div3A_37 {offsets = [168, 0], sizes = [8, 1024], strides = [1, 1]} : vector<2048x1024xf32> to vector<8x1024xf32>
    %add3A_85 = arith.addf %add3A_83, %slice3A_84 : vector<8x1024xf32>
    %slice3A_86 = vector.extract_strided_slice %div3A_37 {offsets = [176, 0], sizes = [8, 1024], strides = [1, 1]} : vector<2048x1024xf32> to vector<8x1024xf32>
    %add3A_87 = arith.addf %add3A_85, %slice3A_86 : vector<8x1024xf32>
    %slice3A_88 = vector.extract_strided_slice %div3A_37 {offsets = [184, 0], sizes = [8, 1024], strides = [1, 1]} : vector<2048x1024xf32> to vector<8x1024xf32>
    %add3A_89 = arith.addf %add3A_87, %slice3A_88 : vector<8x1024xf32>
    %slice3A_90 = vector.extract_strided_slice %div3A_37 {offsets = [192, 0], sizes = [8, 1024], strides = [1, 1]} : vector<2048x1024xf32> to vector<8x1024xf32>
    %add3A_91 = arith.addf %add3A_89, %slice3A_90 : vector<8x1024xf32>
    %slice3A_92 = vector.extract_strided_slice %div3A_37 {offsets = [200, 0], sizes = [8, 1024], strides = [1, 1]} : vector<2048x1024xf32> to vector<8x1024xf32>
    %add3A_93 = arith.addf %add3A_91, %slice3A_92 : vector<8x1024xf32>
    %slice3A_94 = vector.extract_strided_slice %div3A_37 {offsets = [208, 0], sizes = [8, 1024], strides = [1, 1]} : vector<2048x1024xf32> to vector<8x1024xf32>
    %add3A_95 = arith.addf %add3A_93, %slice3A_94 : vector<8x1024xf32>
    %slice3A_96 = vector.extract_strided_slice %div3A_37 {offsets = [216, 0], sizes = [8, 1024], strides = [1, 1]} : vector<2048x1024xf32> to vector<8x1024xf32>
    %add3A_97 = arith.addf %add3A_95, %slice3A_96 : vector<8x1024xf32>
    %slice3A_98 = vector.extract_strided_slice %div3A_37 {offsets = [224, 0], sizes = [8, 1024], strides = [1, 1]} : vector<2048x1024xf32> to vector<8x1024xf32>
    %add3A_99 = arith.addf %add3A_97, %slice3A_98 : vector<8x1024xf32>
    %slice3A_100 = vector.extract_strided_slice %div3A_37 {offsets = [232, 0], sizes = [8, 1024], strides = [1, 1]} : vector<2048x1024xf32> to vector<8x1024xf32>
    %add3A_101 = arith.addf %add3A_99, %slice3A_100 : vector<8x1024xf32>
    %slice3A_102 = vector.extract_strided_slice %div3A_37 {offsets = [240, 0], sizes = [8, 1024], strides = [1, 1]} : vector<2048x1024xf32> to vector<8x1024xf32>
    %add3A_103 = arith.addf %add3A_101, %slice3A_102 : vector<8x1024xf32>
    %slice3A_104 = vector.extract_strided_slice %div3A_37 {offsets = [248, 0], sizes = [8, 1024], strides = [1, 1]} : vector<2048x1024xf32> to vector<8x1024xf32>
    %add3A_105 = arith.addf %add3A_103, %slice3A_104 : vector<8x1024xf32>
    %slice3A_106 = vector.extract_strided_slice %div3A_37 {offsets = [256, 0], sizes = [8, 1024], strides = [1, 1]} : vector<2048x1024xf32> to vector<8x1024xf32>
    %add3A_107 = arith.addf %add3A_105, %slice3A_106 : vector<8x1024xf32>
    %slice3A_108 = vector.extract_strided_slice %div3A_37 {offsets = [264, 0], sizes = [8, 1024], strides = [1, 1]} : vector<2048x1024xf32> to vector<8x1024xf32>
    %add3A_109 = arith.addf %add3A_107, %slice3A_108 : vector<8x1024xf32>
    %slice3A_110 = vector.extract_strided_slice %div3A_37 {offsets = [272, 0], sizes = [8, 1024], strides = [1, 1]} : vector<2048x1024xf32> to vector<8x1024xf32>
    %add3A_111 = arith.addf %add3A_109, %slice3A_110 : vector<8x1024xf32>
    %slice3A_112 = vector.extract_strided_slice %div3A_37 {offsets = [280, 0], sizes = [8, 1024], strides = [1, 1]} : vector<2048x1024xf32> to vector<8x1024xf32>
    %add3A_113 = arith.addf %add3A_111, %slice3A_112 : vector<8x1024xf32>
    %slice3A_114 = vector.extract_strided_slice %div3A_37 {offsets = [288, 0], sizes = [8, 1024], strides = [1, 1]} : vector<2048x1024xf32> to vector<8x1024xf32>
    %add3A_115 = arith.addf %add3A_113, %slice3A_114 : vector<8x1024xf32>
    %slice3A_116 = vector.extract_strided_slice %div3A_37 {offsets = [296, 0], sizes = [8, 1024], strides = [1, 1]} : vector<2048x1024xf32> to vector<8x1024xf32>
    %add3A_117 = arith.addf %add3A_115, %slice3A_116 : vector<8x1024xf32>
    %slice3A_118 = vector.extract_strided_slice %div3A_37 {offsets = [304, 0], sizes = [8, 1024], strides = [1, 1]} : vector<2048x1024xf32> to vector<8x1024xf32>
    %add3A_119 = arith.addf %add3A_117, %slice3A_118 : vector<8x1024xf32>
    %slice3A_120 = vector.extract_strided_slice %div3A_37 {offsets = [312, 0], sizes = [8, 1024], strides = [1, 1]} : vector<2048x1024xf32> to vector<8x1024xf32>
    %add3A_121 = arith.addf %add3A_119, %slice3A_120 : vector<8x1024xf32>
    %slice3A_122 = vector.extract_strided_slice %div3A_37 {offsets = [320, 0], sizes = [8, 1024], strides = [1, 1]} : vector<2048x1024xf32> to vector<8x1024xf32>
    %add3A_123 = arith.addf %add3A_121, %slice3A_122 : vector<8x1024xf32>
    %slice3A_124 = vector.extract_strided_slice %div3A_37 {offsets = [328, 0], sizes = [8, 1024], strides = [1, 1]} : vector<2048x1024xf32> to vector<8x1024xf32>
    %add3A_125 = arith.addf %add3A_123, %slice3A_124 : vector<8x1024xf32>
    %slice3A_126 = vector.extract_strided_slice %div3A_37 {offsets = [336, 0], sizes = [8, 1024], strides = [1, 1]} : vector<2048x1024xf32> to vector<8x1024xf32>
    %add3A_127 = arith.addf %add3A_125, %slice3A_126 : vector<8x1024xf32>
    %slice3A_128 = vector.extract_strided_slice %div3A_37 {offsets = [344, 0], sizes = [8, 1024], strides = [1, 1]} : vector<2048x1024xf32> to vector<8x1024xf32>
    %add3A_129 = arith.addf %add3A_127, %slice3A_128 : vector<8x1024xf32>
    %slice3A_130 = vector.extract_strided_slice %div3A_37 {offsets = [352, 0], sizes = [8, 1024], strides = [1, 1]} : vector<2048x1024xf32> to vector<8x1024xf32>
    %add3A_131 = arith.addf %add3A_129, %slice3A_130 : vector<8x1024xf32>
    %slice3A_132 = vector.extract_strided_slice %div3A_37 {offsets = [360, 0], sizes = [8, 1024], strides = [1, 1]} : vector<2048x1024xf32> to vector<8x1024xf32>
    %add3A_133 = arith.addf %add3A_131, %slice3A_132 : vector<8x1024xf32>
    %slice3A_134 = vector.extract_strided_slice %div3A_37 {offsets = [368, 0], sizes = [8, 1024], strides = [1, 1]} : vector<2048x1024xf32> to vector<8x1024xf32>
    %add3A_135 = arith.addf %add3A_133, %slice3A_134 : vector<8x1024xf32>
    %slice3A_136 = vector.extract_strided_slice %div3A_37 {offsets = [376, 0], sizes = [8, 1024], strides = [1, 1]} : vector<2048x1024xf32> to vector<8x1024xf32>
    %add3A_137 = arith.addf %add3A_135, %slice3A_136 : vector<8x1024xf32>
    %slice3A_138 = vector.extract_strided_slice %div3A_37 {offsets = [384, 0], sizes = [8, 1024], strides = [1, 1]} : vector<2048x1024xf32> to vector<8x1024xf32>
    %add3A_139 = arith.addf %add3A_137, %slice3A_138 : vector<8x1024xf32>
    %slice3A_140 = vector.extract_strided_slice %div3A_37 {offsets = [392, 0], sizes = [8, 1024], strides = [1, 1]} : vector<2048x1024xf32> to vector<8x1024xf32>
    %add3A_141 = arith.addf %add3A_139, %slice3A_140 : vector<8x1024xf32>
    %slice3A_142 = vector.extract_strided_slice %div3A_37 {offsets = [400, 0], sizes = [8, 1024], strides = [1, 1]} : vector<2048x1024xf32> to vector<8x1024xf32>
    %add3A_143 = arith.addf %add3A_141, %slice3A_142 : vector<8x1024xf32>
    %slice3A_144 = vector.extract_strided_slice %div3A_37 {offsets = [408, 0], sizes = [8, 1024], strides = [1, 1]} : vector<2048x1024xf32> to vector<8x1024xf32>
    %add3A_145 = arith.addf %add3A_143, %slice3A_144 : vector<8x1024xf32>
    %slice3A_146 = vector.extract_strided_slice %div3A_37 {offsets = [416, 0], sizes = [8, 1024], strides = [1, 1]} : vector<2048x1024xf32> to vector<8x1024xf32>
    %add3A_147 = arith.addf %add3A_145, %slice3A_146 : vector<8x1024xf32>
    %slice3A_148 = vector.extract_strided_slice %div3A_37 {offsets = [424, 0], sizes = [8, 1024], strides = [1, 1]} : vector<2048x1024xf32> to vector<8x1024xf32>
    %add3A_149 = arith.addf %add3A_147, %slice3A_148 : vector<8x1024xf32>
    %slice3A_150 = vector.extract_strided_slice %div3A_37 {offsets = [432, 0], sizes = [8, 1024], strides = [1, 1]} : vector<2048x1024xf32> to vector<8x1024xf32>
    %add3A_151 = arith.addf %add3A_149, %slice3A_150 : vector<8x1024xf32>
    %slice3A_152 = vector.extract_strided_slice %div3A_37 {offsets = [440, 0], sizes = [8, 1024], strides = [1, 1]} : vector<2048x1024xf32> to vector<8x1024xf32>
    %add3A_153 = arith.addf %add3A_151, %slice3A_152 : vector<8x1024xf32>
    %slice3A_154 = vector.extract_strided_slice %div3A_37 {offsets = [448, 0], sizes = [8, 1024], strides = [1, 1]} : vector<2048x1024xf32> to vector<8x1024xf32>
    %add3A_155 = arith.addf %add3A_153, %slice3A_154 : vector<8x1024xf32>
    %slice3A_156 = vector.extract_strided_slice %div3A_37 {offsets = [456, 0], sizes = [8, 1024], strides = [1, 1]} : vector<2048x1024xf32> to vector<8x1024xf32>
    %add3A_157 = arith.addf %add3A_155, %slice3A_156 : vector<8x1024xf32>
    %slice3A_158 = vector.extract_strided_slice %div3A_37 {offsets = [464, 0], sizes = [8, 1024], strides = [1, 1]} : vector<2048x1024xf32> to vector<8x1024xf32>
    %add3A_159 = arith.addf %add3A_157, %slice3A_158 : vector<8x1024xf32>
    %slice3A_160 = vector.extract_strided_slice %div3A_37 {offsets = [472, 0], sizes = [8, 1024], strides = [1, 1]} : vector<2048x1024xf32> to vector<8x1024xf32>
    %add3A_161 = arith.addf %add3A_159, %slice3A_160 : vector<8x1024xf32>
    %slice3A_162 = vector.extract_strided_slice %div3A_37 {offsets = [480, 0], sizes = [8, 1024], strides = [1, 1]} : vector<2048x1024xf32> to vector<8x1024xf32>
    %add3A_163 = arith.addf %add3A_161, %slice3A_162 : vector<8x1024xf32>
    %slice3A_164 = vector.extract_strided_slice %div3A_37 {offsets = [488, 0], sizes = [8, 1024], strides = [1, 1]} : vector<2048x1024xf32> to vector<8x1024xf32>
    %add3A_165 = arith.addf %add3A_163, %slice3A_164 : vector<8x1024xf32>
    %slice3A_166 = vector.extract_strided_slice %div3A_37 {offsets = [496, 0], sizes = [8, 1024], strides = [1, 1]} : vector<2048x1024xf32> to vector<8x1024xf32>
    %add3A_167 = arith.addf %add3A_165, %slice3A_166 : vector<8x1024xf32>
    %slice3A_168 = vector.extract_strided_slice %div3A_37 {offsets = [504, 0], sizes = [8, 1024], strides = [1, 1]} : vector<2048x1024xf32> to vector<8x1024xf32>
    %add3A_169 = arith.addf %add3A_167, %slice3A_168 : vector<8x1024xf32>
    %slice3A_170 = vector.extract_strided_slice %div3A_37 {offsets = [512, 0], sizes = [8, 1024], strides = [1, 1]} : vector<2048x1024xf32> to vector<8x1024xf32>
    %add3A_171 = arith.addf %add3A_169, %slice3A_170 : vector<8x1024xf32>
    %slice3A_172 = vector.extract_strided_slice %div3A_37 {offsets = [520, 0], sizes = [8, 1024], strides = [1, 1]} : vector<2048x1024xf32> to vector<8x1024xf32>
    %add3A_173 = arith.addf %add3A_171, %slice3A_172 : vector<8x1024xf32>
    %slice3A_174 = vector.extract_strided_slice %div3A_37 {offsets = [528, 0], sizes = [8, 1024], strides = [1, 1]} : vector<2048x1024xf32> to vector<8x1024xf32>
    %add3A_175 = arith.addf %add3A_173, %slice3A_174 : vector<8x1024xf32>
    %slice3A_176 = vector.extract_strided_slice %div3A_37 {offsets = [536, 0], sizes = [8, 1024], strides = [1, 1]} : vector<2048x1024xf32> to vector<8x1024xf32>
    %add3A_177 = arith.addf %add3A_175, %slice3A_176 : vector<8x1024xf32>
    %slice3A_178 = vector.extract_strided_slice %div3A_37 {offsets = [544, 0], sizes = [8, 1024], strides = [1, 1]} : vector<2048x1024xf32> to vector<8x1024xf32>
    %add3A_179 = arith.addf %add3A_177, %slice3A_178 : vector<8x1024xf32>
    %slice3A_180 = vector.extract_strided_slice %div3A_37 {offsets = [552, 0], sizes = [8, 1024], strides = [1, 1]} : vector<2048x1024xf32> to vector<8x1024xf32>
    %add3A_181 = arith.addf %add3A_179, %slice3A_180 : vector<8x1024xf32>
    %slice3A_182 = vector.extract_strided_slice %div3A_37 {offsets = [560, 0], sizes = [8, 1024], strides = [1, 1]} : vector<2048x1024xf32> to vector<8x1024xf32>
    %add3A_183 = arith.addf %add3A_181, %slice3A_182 : vector<8x1024xf32>
    %slice3A_184 = vector.extract_strided_slice %div3A_37 {offsets = [568, 0], sizes = [8, 1024], strides = [1, 1]} : vector<2048x1024xf32> to vector<8x1024xf32>
    %add3A_185 = arith.addf %add3A_183, %slice3A_184 : vector<8x1024xf32>
    %slice3A_186 = vector.extract_strided_slice %div3A_37 {offsets = [576, 0], sizes = [8, 1024], strides = [1, 1]} : vector<2048x1024xf32> to vector<8x1024xf32>
    %add3A_187 = arith.addf %add3A_185, %slice3A_186 : vector<8x1024xf32>
    %slice3A_188 = vector.extract_strided_slice %div3A_37 {offsets = [584, 0], sizes = [8, 1024], strides = [1, 1]} : vector<2048x1024xf32> to vector<8x1024xf32>
    %add3A_189 = arith.addf %add3A_187, %slice3A_188 : vector<8x1024xf32>
    %slice3A_190 = vector.extract_strided_slice %div3A_37 {offsets = [592, 0], sizes = [8, 1024], strides = [1, 1]} : vector<2048x1024xf32> to vector<8x1024xf32>
    %add3A_191 = arith.addf %add3A_189, %slice3A_190 : vector<8x1024xf32>
    %slice3A_192 = vector.extract_strided_slice %div3A_37 {offsets = [600, 0], sizes = [8, 1024], strides = [1, 1]} : vector<2048x1024xf32> to vector<8x1024xf32>
    %add3A_193 = arith.addf %add3A_191, %slice3A_192 : vector<8x1024xf32>
    %slice3A_194 = vector.extract_strided_slice %div3A_37 {offsets = [608, 0], sizes = [8, 1024], strides = [1, 1]} : vector<2048x1024xf32> to vector<8x1024xf32>
    %add3A_195 = arith.addf %add3A_193, %slice3A_194 : vector<8x1024xf32>
    %slice3A_196 = vector.extract_strided_slice %div3A_37 {offsets = [616, 0], sizes = [8, 1024], strides = [1, 1]} : vector<2048x1024xf32> to vector<8x1024xf32>
    %add3A_197 = arith.addf %add3A_195, %slice3A_196 : vector<8x1024xf32>
    %slice3A_198 = vector.extract_strided_slice %div3A_37 {offsets = [624, 0], sizes = [8, 1024], strides = [1, 1]} : vector<2048x1024xf32> to vector<8x1024xf32>
    %add3A_199 = arith.addf %add3A_197, %slice3A_198 : vector<8x1024xf32>
    %slice3A_200 = vector.extract_strided_slice %div3A_37 {offsets = [632, 0], sizes = [8, 1024], strides = [1, 1]} : vector<2048x1024xf32> to vector<8x1024xf32>
    %add3A_201 = arith.addf %add3A_199, %slice3A_200 : vector<8x1024xf32>
    %slice3A_202 = vector.extract_strided_slice %div3A_37 {offsets = [640, 0], sizes = [8, 1024], strides = [1, 1]} : vector<2048x1024xf32> to vector<8x1024xf32>
    %add3A_203 = arith.addf %add3A_201, %slice3A_202 : vector<8x1024xf32>
    %slice3A_204 = vector.extract_strided_slice %div3A_37 {offsets = [648, 0], sizes = [8, 1024], strides = [1, 1]} : vector<2048x1024xf32> to vector<8x1024xf32>
    %add3A_205 = arith.addf %add3A_203, %slice3A_204 : vector<8x1024xf32>
    %slice3A_206 = vector.extract_strided_slice %div3A_37 {offsets = [656, 0], sizes = [8, 1024], strides = [1, 1]} : vector<2048x1024xf32> to vector<8x1024xf32>
    %add3A_207 = arith.addf %add3A_205, %slice3A_206 : vector<8x1024xf32>
    %slice3A_208 = vector.extract_strided_slice %div3A_37 {offsets = [664, 0], sizes = [8, 1024], strides = [1, 1]} : vector<2048x1024xf32> to vector<8x1024xf32>
    %add3A_209 = arith.addf %add3A_207, %slice3A_208 : vector<8x1024xf32>
    %slice3A_210 = vector.extract_strided_slice %div3A_37 {offsets = [672, 0], sizes = [8, 1024], strides = [1, 1]} : vector<2048x1024xf32> to vector<8x1024xf32>
    %add3A_211 = arith.addf %add3A_209, %slice3A_210 : vector<8x1024xf32>
    %slice3A_212 = vector.extract_strided_slice %div3A_37 {offsets = [680, 0], sizes = [8, 1024], strides = [1, 1]} : vector<2048x1024xf32> to vector<8x1024xf32>
    %add3A_213 = arith.addf %add3A_211, %slice3A_212 : vector<8x1024xf32>
    %slice3A_214 = vector.extract_strided_slice %div3A_37 {offsets = [688, 0], sizes = [8, 1024], strides = [1, 1]} : vector<2048x1024xf32> to vector<8x1024xf32>
    %add3A_215 = arith.addf %add3A_213, %slice3A_214 : vector<8x1024xf32>
    %slice3A_216 = vector.extract_strided_slice %div3A_37 {offsets = [696, 0], sizes = [8, 1024], strides = [1, 1]} : vector<2048x1024xf32> to vector<8x1024xf32>
    %add3A_217 = arith.addf %add3A_215, %slice3A_216 : vector<8x1024xf32>
    %slice3A_218 = vector.extract_strided_slice %div3A_37 {offsets = [704, 0], sizes = [8, 1024], strides = [1, 1]} : vector<2048x1024xf32> to vector<8x1024xf32>
    %add3A_219 = arith.addf %add3A_217, %slice3A_218 : vector<8x1024xf32>
    %slice3A_220 = vector.extract_strided_slice %div3A_37 {offsets = [712, 0], sizes = [8, 1024], strides = [1, 1]} : vector<2048x1024xf32> to vector<8x1024xf32>
    %add3A_221 = arith.addf %add3A_219, %slice3A_220 : vector<8x1024xf32>
    %slice3A_222 = vector.extract_strided_slice %div3A_37 {offsets = [720, 0], sizes = [8, 1024], strides = [1, 1]} : vector<2048x1024xf32> to vector<8x1024xf32>
    %add3A_223 = arith.addf %add3A_221, %slice3A_222 : vector<8x1024xf32>
    %slice3A_224 = vector.extract_strided_slice %div3A_37 {offsets = [728, 0], sizes = [8, 1024], strides = [1, 1]} : vector<2048x1024xf32> to vector<8x1024xf32>
    %add3A_225 = arith.addf %add3A_223, %slice3A_224 : vector<8x1024xf32>
    %slice3A_226 = vector.extract_strided_slice %div3A_37 {offsets = [736, 0], sizes = [8, 1024], strides = [1, 1]} : vector<2048x1024xf32> to vector<8x1024xf32>
    %add3A_227 = arith.addf %add3A_225, %slice3A_226 : vector<8x1024xf32>
    %slice3A_228 = vector.extract_strided_slice %div3A_37 {offsets = [744, 0], sizes = [8, 1024], strides = [1, 1]} : vector<2048x1024xf32> to vector<8x1024xf32>
    %add3A_229 = arith.addf %add3A_227, %slice3A_228 : vector<8x1024xf32>
    %slice3A_230 = vector.extract_strided_slice %div3A_37 {offsets = [752, 0], sizes = [8, 1024], strides = [1, 1]} : vector<2048x1024xf32> to vector<8x1024xf32>
    %add3A_231 = arith.addf %add3A_229, %slice3A_230 : vector<8x1024xf32>
    %slice3A_232 = vector.extract_strided_slice %div3A_37 {offsets = [760, 0], sizes = [8, 1024], strides = [1, 1]} : vector<2048x1024xf32> to vector<8x1024xf32>
    %add3A_233 = arith.addf %add3A_231, %slice3A_232 : vector<8x1024xf32>
    %slice3A_234 = vector.extract_strided_slice %div3A_37 {offsets = [768, 0], sizes = [8, 1024], strides = [1, 1]} : vector<2048x1024xf32> to vector<8x1024xf32>
    %add3A_235 = arith.addf %add3A_233, %slice3A_234 : vector<8x1024xf32>
    %slice3A_236 = vector.extract_strided_slice %div3A_37 {offsets = [776, 0], sizes = [8, 1024], strides = [1, 1]} : vector<2048x1024xf32> to vector<8x1024xf32>
    %add3A_237 = arith.addf %add3A_235, %slice3A_236 : vector<8x1024xf32>
    %slice3A_238 = vector.extract_strided_slice %div3A_37 {offsets = [784, 0], sizes = [8, 1024], strides = [1, 1]} : vector<2048x1024xf32> to vector<8x1024xf32>
    %add3A_239 = arith.addf %add3A_237, %slice3A_238 : vector<8x1024xf32>
    %slice3A_240 = vector.extract_strided_slice %div3A_37 {offsets = [792, 0], sizes = [8, 1024], strides = [1, 1]} : vector<2048x1024xf32> to vector<8x1024xf32>
    %add3A_241 = arith.addf %add3A_239, %slice3A_240 : vector<8x1024xf32>
    %slice3A_242 = vector.extract_strided_slice %div3A_37 {offsets = [800, 0], sizes = [8, 1024], strides = [1, 1]} : vector<2048x1024xf32> to vector<8x1024xf32>
    %add3A_243 = arith.addf %add3A_241, %slice3A_242 : vector<8x1024xf32>
    %slice3A_244 = vector.extract_strided_slice %div3A_37 {offsets = [808, 0], sizes = [8, 1024], strides = [1, 1]} : vector<2048x1024xf32> to vector<8x1024xf32>
    %add3A_245 = arith.addf %add3A_243, %slice3A_244 : vector<8x1024xf32>
    %slice3A_246 = vector.extract_strided_slice %div3A_37 {offsets = [816, 0], sizes = [8, 1024], strides = [1, 1]} : vector<2048x1024xf32> to vector<8x1024xf32>
    %add3A_247 = arith.addf %add3A_245, %slice3A_246 : vector<8x1024xf32>
    %slice3A_248 = vector.extract_strided_slice %div3A_37 {offsets = [824, 0], sizes = [8, 1024], strides = [1, 1]} : vector<2048x1024xf32> to vector<8x1024xf32>
    %add3A_249 = arith.addf %add3A_247, %slice3A_248 : vector<8x1024xf32>
    %slice3A_250 = vector.extract_strided_slice %div3A_37 {offsets = [832, 0], sizes = [8, 1024], strides = [1, 1]} : vector<2048x1024xf32> to vector<8x1024xf32>
    %add3A_251 = arith.addf %add3A_249, %slice3A_250 : vector<8x1024xf32>
    %slice3A_252 = vector.extract_strided_slice %div3A_37 {offsets = [840, 0], sizes = [8, 1024], strides = [1, 1]} : vector<2048x1024xf32> to vector<8x1024xf32>
    %add3A_253 = arith.addf %add3A_251, %slice3A_252 : vector<8x1024xf32>
    %slice3A_254 = vector.extract_strided_slice %div3A_37 {offsets = [848, 0], sizes = [8, 1024], strides = [1, 1]} : vector<2048x1024xf32> to vector<8x1024xf32>
    %add3A_255 = arith.addf %add3A_253, %slice3A_254 : vector<8x1024xf32>
    %slice3A_256 = vector.extract_strided_slice %div3A_37 {offsets = [856, 0], sizes = [8, 1024], strides = [1, 1]} : vector<2048x1024xf32> to vector<8x1024xf32>
    %add3A_257 = arith.addf %add3A_255, %slice3A_256 : vector<8x1024xf32>
    %slice3A_258 = vector.extract_strided_slice %div3A_37 {offsets = [864, 0], sizes = [8, 1024], strides = [1, 1]} : vector<2048x1024xf32> to vector<8x1024xf32>
    %add3A_259 = arith.addf %add3A_257, %slice3A_258 : vector<8x1024xf32>
    %slice3A_260 = vector.extract_strided_slice %div3A_37 {offsets = [872, 0], sizes = [8, 1024], strides = [1, 1]} : vector<2048x1024xf32> to vector<8x1024xf32>
    %add3A_261 = arith.addf %add3A_259, %slice3A_260 : vector<8x1024xf32>
    %slice3A_262 = vector.extract_strided_slice %div3A_37 {offsets = [880, 0], sizes = [8, 1024], strides = [1, 1]} : vector<2048x1024xf32> to vector<8x1024xf32>
    %add3A_263 = arith.addf %add3A_261, %slice3A_262 : vector<8x1024xf32>
    %slice3A_264 = vector.extract_strided_slice %div3A_37 {offsets = [888, 0], sizes = [8, 1024], strides = [1, 1]} : vector<2048x1024xf32> to vector<8x1024xf32>
    %add3A_265 = arith.addf %add3A_263, %slice3A_264 : vector<8x1024xf32>
    %slice3A_266 = vector.extract_strided_slice %div3A_37 {offsets = [896, 0], sizes = [8, 1024], strides = [1, 1]} : vector<2048x1024xf32> to vector<8x1024xf32>
    %add3A_267 = arith.addf %add3A_265, %slice3A_266 : vector<8x1024xf32>
    %slice3A_268 = vector.extract_strided_slice %div3A_37 {offsets = [904, 0], sizes = [8, 1024], strides = [1, 1]} : vector<2048x1024xf32> to vector<8x1024xf32>
    %add3A_269 = arith.addf %add3A_267, %slice3A_268 : vector<8x1024xf32>
    %slice3A_270 = vector.extract_strided_slice %div3A_37 {offsets = [912, 0], sizes = [8, 1024], strides = [1, 1]} : vector<2048x1024xf32> to vector<8x1024xf32>
    %add3A_271 = arith.addf %add3A_269, %slice3A_270 : vector<8x1024xf32>
    %slice3A_272 = vector.extract_strided_slice %div3A_37 {offsets = [920, 0], sizes = [8, 1024], strides = [1, 1]} : vector<2048x1024xf32> to vector<8x1024xf32>
    %add3A_273 = arith.addf %add3A_271, %slice3A_272 : vector<8x1024xf32>
    %slice3A_274 = vector.extract_strided_slice %div3A_37 {offsets = [928, 0], sizes = [8, 1024], strides = [1, 1]} : vector<2048x1024xf32> to vector<8x1024xf32>
    %add3A_275 = arith.addf %add3A_273, %slice3A_274 : vector<8x1024xf32>
    %slice3A_276 = vector.extract_strided_slice %div3A_37 {offsets = [936, 0], sizes = [8, 1024], strides = [1, 1]} : vector<2048x1024xf32> to vector<8x1024xf32>
    %add3A_277 = arith.addf %add3A_275, %slice3A_276 : vector<8x1024xf32>
    %slice3A_278 = vector.extract_strided_slice %div3A_37 {offsets = [944, 0], sizes = [8, 1024], strides = [1, 1]} : vector<2048x1024xf32> to vector<8x1024xf32>
    %add3A_279 = arith.addf %add3A_277, %slice3A_278 : vector<8x1024xf32>
    %slice3A_280 = vector.extract_strided_slice %div3A_37 {offsets = [952, 0], sizes = [8, 1024], strides = [1, 1]} : vector<2048x1024xf32> to vector<8x1024xf32>
    %add3A_281 = arith.addf %add3A_279, %slice3A_280 : vector<8x1024xf32>
    %slice3A_282 = vector.extract_strided_slice %div3A_37 {offsets = [960, 0], sizes = [8, 1024], strides = [1, 1]} : vector<2048x1024xf32> to vector<8x1024xf32>
    %add3A_283 = arith.addf %add3A_281, %slice3A_282 : vector<8x1024xf32>
    %slice3A_284 = vector.extract_strided_slice %div3A_37 {offsets = [968, 0], sizes = [8, 1024], strides = [1, 1]} : vector<2048x1024xf32> to vector<8x1024xf32>
    %add3A_285 = arith.addf %add3A_283, %slice3A_284 : vector<8x1024xf32>
    %slice3A_286 = vector.extract_strided_slice %div3A_37 {offsets = [976, 0], sizes = [8, 1024], strides = [1, 1]} : vector<2048x1024xf32> to vector<8x1024xf32>
    %add3A_287 = arith.addf %add3A_285, %slice3A_286 : vector<8x1024xf32>
    %slice3A_288 = vector.extract_strided_slice %div3A_37 {offsets = [984, 0], sizes = [8, 1024], strides = [1, 1]} : vector<2048x1024xf32> to vector<8x1024xf32>
    %add3A_289 = arith.addf %add3A_287, %slice3A_288 : vector<8x1024xf32>
    %slice3A_290 = vector.extract_strided_slice %div3A_37 {offsets = [992, 0], sizes = [8, 1024], strides = [1, 1]} : vector<2048x1024xf32> to vector<8x1024xf32>
    %add3A_291 = arith.addf %add3A_289, %slice3A_290 : vector<8x1024xf32>
    %slice3A_292 = vector.extract_strided_slice %div3A_37 {offsets = [1000, 0], sizes = [8, 1024], strides = [1, 1]} : vector<2048x1024xf32> to vector<8x1024xf32>
    %add3A_293 = arith.addf %add3A_291, %slice3A_292 : vector<8x1024xf32>
    %slice3A_294 = vector.extract_strided_slice %div3A_37 {offsets = [1008, 0], sizes = [8, 1024], strides = [1, 1]} : vector<2048x1024xf32> to vector<8x1024xf32>
    %add3A_295 = arith.addf %add3A_293, %slice3A_294 : vector<8x1024xf32>
    %slice3A_296 = vector.extract_strided_slice %div3A_37 {offsets = [1016, 0], sizes = [8, 1024], strides = [1, 1]} : vector<2048x1024xf32> to vector<8x1024xf32>
    %add3A_297 = arith.addf %add3A_295, %slice3A_296 : vector<8x1024xf32>
    %slice3A_298 = vector.extract_strided_slice %add3A_297 {offsets = [0, 0], sizes = [4, 1024], strides = [1, 1]} : vector<8x1024xf32> to vector<4x1024xf32>
    %slice3A_299 = vector.extract_strided_slice %add3A_297 {offsets = [4, 0], sizes = [4, 1024], strides = [1, 1]} : vector<8x1024xf32> to vector<4x1024xf32>
    %add3A_300 = arith.addf %slice3A_298, %slice3A_299 : vector<4x1024xf32>
    %slice3A_301 = vector.extract_strided_slice %add3A_300 {offsets = [0, 0], sizes = [2, 1024], strides = [1, 1]} : vector<4x1024xf32> to vector<2x1024xf32>
    %slice3A_302 = vector.extract_strided_slice %add3A_300 {offsets = [2, 0], sizes = [2, 1024], strides = [1, 1]} : vector<4x1024xf32> to vector<2x1024xf32>
    %add3A_303 = arith.addf %slice3A_301, %slice3A_302 : vector<2x1024xf32>
    %slice3A_304 = vector.extract_strided_slice %add3A_303 {offsets = [0, 0], sizes = [1, 1024], strides = [1, 1]} : vector<2x1024xf32> to vector<1x1024xf32>
    %slice3A_305 = vector.extract_strided_slice %add3A_303 {offsets = [1, 0], sizes = [1, 1024], strides = [1, 1]} : vector<2x1024xf32> to vector<1x1024xf32>
    %add3A_306 = arith.addf %slice3A_304, %slice3A_305 : vector<1x1024xf32>
    %add3A_307 = arith.addf %get3A_43, %add3A_306 : vector<1x1024xf32>
    %slice3A_308 = vector.extract_strided_slice %div3A_37 {offsets = [1024, 0], sizes = [8, 1024], strides = [1, 1]} : vector<2048x1024xf32> to vector<8x1024xf32>
    %slice3A_309 = vector.extract_strided_slice %div3A_37 {offsets = [1032, 0], sizes = [8, 1024], strides = [1, 1]} : vector<2048x1024xf32> to vector<8x1024xf32>
    %add3A_310 = arith.addf %slice3A_308, %slice3A_309 : vector<8x1024xf32>
    %slice3A_311 = vector.extract_strided_slice %div3A_37 {offsets = [1040, 0], sizes = [8, 1024], strides = [1, 1]} : vector<2048x1024xf32> to vector<8x1024xf32>
    %add3A_312 = arith.addf %add3A_310, %slice3A_311 : vector<8x1024xf32>
    %slice3A_313 = vector.extract_strided_slice %div3A_37 {offsets = [1048, 0], sizes = [8, 1024], strides = [1, 1]} : vector<2048x1024xf32> to vector<8x1024xf32>
    %add3A_314 = arith.addf %add3A_312, %slice3A_313 : vector<8x1024xf32>
    %slice3A_315 = vector.extract_strided_slice %div3A_37 {offsets = [1056, 0], sizes = [8, 1024], strides = [1, 1]} : vector<2048x1024xf32> to vector<8x1024xf32>
    %add3A_316 = arith.addf %add3A_314, %slice3A_315 : vector<8x1024xf32>
    %slice3A_317 = vector.extract_strided_slice %div3A_37 {offsets = [1064, 0], sizes = [8, 1024], strides = [1, 1]} : vector<2048x1024xf32> to vector<8x1024xf32>
    %add3A_318 = arith.addf %add3A_316, %slice3A_317 : vector<8x1024xf32>
    %slice3A_319 = vector.extract_strided_slice %div3A_37 {offsets = [1072, 0], sizes = [8, 1024], strides = [1, 1]} : vector<2048x1024xf32> to vector<8x1024xf32>
    %add3A_320 = arith.addf %add3A_318, %slice3A_319 : vector<8x1024xf32>
    %slice3A_321 = vector.extract_strided_slice %div3A_37 {offsets = [1080, 0], sizes = [8, 1024], strides = [1, 1]} : vector<2048x1024xf32> to vector<8x1024xf32>
    %add3A_322 = arith.addf %add3A_320, %slice3A_321 : vector<8x1024xf32>
    %slice3A_323 = vector.extract_strided_slice %div3A_37 {offsets = [1088, 0], sizes = [8, 1024], strides = [1, 1]} : vector<2048x1024xf32> to vector<8x1024xf32>
    %add3A_324 = arith.addf %add3A_322, %slice3A_323 : vector<8x1024xf32>
    %slice3A_325 = vector.extract_strided_slice %div3A_37 {offsets = [1096, 0], sizes = [8, 1024], strides = [1, 1]} : vector<2048x1024xf32> to vector<8x1024xf32>
    %add3A_326 = arith.addf %add3A_324, %slice3A_325 : vector<8x1024xf32>
    %slice3A_327 = vector.extract_strided_slice %div3A_37 {offsets = [1104, 0], sizes = [8, 1024], strides = [1, 1]} : vector<2048x1024xf32> to vector<8x1024xf32>
    %add3A_328 = arith.addf %add3A_326, %slice3A_327 : vector<8x1024xf32>
    %slice3A_329 = vector.extract_strided_slice %div3A_37 {offsets = [1112, 0], sizes = [8, 1024], strides = [1, 1]} : vector<2048x1024xf32> to vector<8x1024xf32>
    %add3A_330 = arith.addf %add3A_328, %slice3A_329 : vector<8x1024xf32>
    %slice3A_331 = vector.extract_strided_slice %div3A_37 {offsets = [1120, 0], sizes = [8, 1024], strides = [1, 1]} : vector<2048x1024xf32> to vector<8x1024xf32>
    %add3A_332 = arith.addf %add3A_330, %slice3A_331 : vector<8x1024xf32>
    %slice3A_333 = vector.extract_strided_slice %div3A_37 {offsets = [1128, 0], sizes = [8, 1024], strides = [1, 1]} : vector<2048x1024xf32> to vector<8x1024xf32>
    %add3A_334 = arith.addf %add3A_332, %slice3A_333 : vector<8x1024xf32>
    %slice3A_335 = vector.extract_strided_slice %div3A_37 {offsets = [1136, 0], sizes = [8, 1024], strides = [1, 1]} : vector<2048x1024xf32> to vector<8x1024xf32>
    %add3A_336 = arith.addf %add3A_334, %slice3A_335 : vector<8x1024xf32>
    %slice3A_337 = vector.extract_strided_slice %div3A_37 {offsets = [1144, 0], sizes = [8, 1024], strides = [1, 1]} : vector<2048x1024xf32> to vector<8x1024xf32>
    %add3A_338 = arith.addf %add3A_336, %slice3A_337 : vector<8x1024xf32>
    %slice3A_339 = vector.extract_strided_slice %div3A_37 {offsets = [1152, 0], sizes = [8, 1024], strides = [1, 1]} : vector<2048x1024xf32> to vector<8x1024xf32>
    %add3A_340 = arith.addf %add3A_338, %slice3A_339 : vector<8x1024xf32>
    %slice3A_341 = vector.extract_strided_slice %div3A_37 {offsets = [1160, 0], sizes = [8, 1024], strides = [1, 1]} : vector<2048x1024xf32> to vector<8x1024xf32>
    %add3A_342 = arith.addf %add3A_340, %slice3A_341 : vector<8x1024xf32>
    %slice3A_343 = vector.extract_strided_slice %div3A_37 {offsets = [1168, 0], sizes = [8, 1024], strides = [1, 1]} : vector<2048x1024xf32> to vector<8x1024xf32>
    %add3A_344 = arith.addf %add3A_342, %slice3A_343 : vector<8x1024xf32>
    %slice3A_345 = vector.extract_strided_slice %div3A_37 {offsets = [1176, 0], sizes = [8, 1024], strides = [1, 1]} : vector<2048x1024xf32> to vector<8x1024xf32>
    %add3A_346 = arith.addf %add3A_344, %slice3A_345 : vector<8x1024xf32>
    %slice3A_347 = vector.extract_strided_slice %div3A_37 {offsets = [1184, 0], sizes = [8, 1024], strides = [1, 1]} : vector<2048x1024xf32> to vector<8x1024xf32>
    %add3A_348 = arith.addf %add3A_346, %slice3A_347 : vector<8x1024xf32>
    %slice3A_349 = vector.extract_strided_slice %div3A_37 {offsets = [1192, 0], sizes = [8, 1024], strides = [1, 1]} : vector<2048x1024xf32> to vector<8x1024xf32>
    %add3A_350 = arith.addf %add3A_348, %slice3A_349 : vector<8x1024xf32>
    %slice3A_351 = vector.extract_strided_slice %div3A_37 {offsets = [1200, 0], sizes = [8, 1024], strides = [1, 1]} : vector<2048x1024xf32> to vector<8x1024xf32>
    %add3A_352 = arith.addf %add3A_350, %slice3A_351 : vector<8x1024xf32>
    %slice3A_353 = vector.extract_strided_slice %div3A_37 {offsets = [1208, 0], sizes = [8, 1024], strides = [1, 1]} : vector<2048x1024xf32> to vector<8x1024xf32>
    %add3A_354 = arith.addf %add3A_352, %slice3A_353 : vector<8x1024xf32>
    %slice3A_355 = vector.extract_strided_slice %div3A_37 {offsets = [1216, 0], sizes = [8, 1024], strides = [1, 1]} : vector<2048x1024xf32> to vector<8x1024xf32>
    %add3A_356 = arith.addf %add3A_354, %slice3A_355 : vector<8x1024xf32>
    %slice3A_357 = vector.extract_strided_slice %div3A_37 {offsets = [1224, 0], sizes = [8, 1024], strides = [1, 1]} : vector<2048x1024xf32> to vector<8x1024xf32>
    %add3A_358 = arith.addf %add3A_356, %slice3A_357 : vector<8x1024xf32>
    %slice3A_359 = vector.extract_strided_slice %div3A_37 {offsets = [1232, 0], sizes = [8, 1024], strides = [1, 1]} : vector<2048x1024xf32> to vector<8x1024xf32>
    %add3A_360 = arith.addf %add3A_358, %slice3A_359 : vector<8x1024xf32>
    %slice3A_361 = vector.extract_strided_slice %div3A_37 {offsets = [1240, 0], sizes = [8, 1024], strides = [1, 1]} : vector<2048x1024xf32> to vector<8x1024xf32>
    %add3A_362 = arith.addf %add3A_360, %slice3A_361 : vector<8x1024xf32>
    %slice3A_363 = vector.extract_strided_slice %div3A_37 {offsets = [1248, 0], sizes = [8, 1024], strides = [1, 1]} : vector<2048x1024xf32> to vector<8x1024xf32>
    %add3A_364 = arith.addf %add3A_362, %slice3A_363 : vector<8x1024xf32>
    %slice3A_365 = vector.extract_strided_slice %div3A_37 {offsets = [1256, 0], sizes = [8, 1024], strides = [1, 1]} : vector<2048x1024xf32> to vector<8x1024xf32>
    %add3A_366 = arith.addf %add3A_364, %slice3A_365 : vector<8x1024xf32>
    %slice3A_367 = vector.extract_strided_slice %div3A_37 {offsets = [1264, 0], sizes = [8, 1024], strides = [1, 1]} : vector<2048x1024xf32> to vector<8x1024xf32>
    %add3A_368 = arith.addf %add3A_366, %slice3A_367 : vector<8x1024xf32>
    %slice3A_369 = vector.extract_strided_slice %div3A_37 {offsets = [1272, 0], sizes = [8, 1024], strides = [1, 1]} : vector<2048x1024xf32> to vector<8x1024xf32>
    %add3A_370 = arith.addf %add3A_368, %slice3A_369 : vector<8x1024xf32>
    %slice3A_371 = vector.extract_strided_slice %div3A_37 {offsets = [1280, 0], sizes = [8, 1024], strides = [1, 1]} : vector<2048x1024xf32> to vector<8x1024xf32>
    %add3A_372 = arith.addf %add3A_370, %slice3A_371 : vector<8x1024xf32>
    %slice3A_373 = vector.extract_strided_slice %div3A_37 {offsets = [1288, 0], sizes = [8, 1024], strides = [1, 1]} : vector<2048x1024xf32> to vector<8x1024xf32>
    %add3A_374 = arith.addf %add3A_372, %slice3A_373 : vector<8x1024xf32>
    %slice3A_375 = vector.extract_strided_slice %div3A_37 {offsets = [1296, 0], sizes = [8, 1024], strides = [1, 1]} : vector<2048x1024xf32> to vector<8x1024xf32>
    %add3A_376 = arith.addf %add3A_374, %slice3A_375 : vector<8x1024xf32>
    %slice3A_377 = vector.extract_strided_slice %div3A_37 {offsets = [1304, 0], sizes = [8, 1024], strides = [1, 1]} : vector<2048x1024xf32> to vector<8x1024xf32>
    %add3A_378 = arith.addf %add3A_376, %slice3A_377 : vector<8x1024xf32>
    %slice3A_379 = vector.extract_strided_slice %div3A_37 {offsets = [1312, 0], sizes = [8, 1024], strides = [1, 1]} : vector<2048x1024xf32> to vector<8x1024xf32>
    %add3A_380 = arith.addf %add3A_378, %slice3A_379 : vector<8x1024xf32>
    %slice3A_381 = vector.extract_strided_slice %div3A_37 {offsets = [1320, 0], sizes = [8, 1024], strides = [1, 1]} : vector<2048x1024xf32> to vector<8x1024xf32>
    %add3A_382 = arith.addf %add3A_380, %slice3A_381 : vector<8x1024xf32>
    %slice3A_383 = vector.extract_strided_slice %div3A_37 {offsets = [1328, 0], sizes = [8, 1024], strides = [1, 1]} : vector<2048x1024xf32> to vector<8x1024xf32>
    %add3A_384 = arith.addf %add3A_382, %slice3A_383 : vector<8x1024xf32>
    %slice3A_385 = vector.extract_strided_slice %div3A_37 {offsets = [1336, 0], sizes = [8, 1024], strides = [1, 1]} : vector<2048x1024xf32> to vector<8x1024xf32>
    %add3A_386 = arith.addf %add3A_384, %slice3A_385 : vector<8x1024xf32>
    %slice3A_387 = vector.extract_strided_slice %div3A_37 {offsets = [1344, 0], sizes = [8, 1024], strides = [1, 1]} : vector<2048x1024xf32> to vector<8x1024xf32>
    %add3A_388 = arith.addf %add3A_386, %slice3A_387 : vector<8x1024xf32>
    %slice3A_389 = vector.extract_strided_slice %div3A_37 {offsets = [1352, 0], sizes = [8, 1024], strides = [1, 1]} : vector<2048x1024xf32> to vector<8x1024xf32>
    %add3A_390 = arith.addf %add3A_388, %slice3A_389 : vector<8x1024xf32>
    %slice3A_391 = vector.extract_strided_slice %div3A_37 {offsets = [1360, 0], sizes = [8, 1024], strides = [1, 1]} : vector<2048x1024xf32> to vector<8x1024xf32>
    %add3A_392 = arith.addf %add3A_390, %slice3A_391 : vector<8x1024xf32>
    %slice3A_393 = vector.extract_strided_slice %div3A_37 {offsets = [1368, 0], sizes = [8, 1024], strides = [1, 1]} : vector<2048x1024xf32> to vector<8x1024xf32>
    %add3A_394 = arith.addf %add3A_392, %slice3A_393 : vector<8x1024xf32>
    %slice3A_395 = vector.extract_strided_slice %div3A_37 {offsets = [1376, 0], sizes = [8, 1024], strides = [1, 1]} : vector<2048x1024xf32> to vector<8x1024xf32>
    %add3A_396 = arith.addf %add3A_394, %slice3A_395 : vector<8x1024xf32>
    %slice3A_397 = vector.extract_strided_slice %div3A_37 {offsets = [1384, 0], sizes = [8, 1024], strides = [1, 1]} : vector<2048x1024xf32> to vector<8x1024xf32>
    %add3A_398 = arith.addf %add3A_396, %slice3A_397 : vector<8x1024xf32>
    %slice3A_399 = vector.extract_strided_slice %div3A_37 {offsets = [1392, 0], sizes = [8, 1024], strides = [1, 1]} : vector<2048x1024xf32> to vector<8x1024xf32>
    %add3A_400 = arith.addf %add3A_398, %slice3A_399 : vector<8x1024xf32>
    %slice3A_401 = vector.extract_strided_slice %div3A_37 {offsets = [1400, 0], sizes = [8, 1024], strides = [1, 1]} : vector<2048x1024xf32> to vector<8x1024xf32>
    %add3A_402 = arith.addf %add3A_400, %slice3A_401 : vector<8x1024xf32>
    %slice3A_403 = vector.extract_strided_slice %div3A_37 {offsets = [1408, 0], sizes = [8, 1024], strides = [1, 1]} : vector<2048x1024xf32> to vector<8x1024xf32>
    %add3A_404 = arith.addf %add3A_402, %slice3A_403 : vector<8x1024xf32>
    %slice3A_405 = vector.extract_strided_slice %div3A_37 {offsets = [1416, 0], sizes = [8, 1024], strides = [1, 1]} : vector<2048x1024xf32> to vector<8x1024xf32>
    %add3A_406 = arith.addf %add3A_404, %slice3A_405 : vector<8x1024xf32>
    %slice3A_407 = vector.extract_strided_slice %div3A_37 {offsets = [1424, 0], sizes = [8, 1024], strides = [1, 1]} : vector<2048x1024xf32> to vector<8x1024xf32>
    %add3A_408 = arith.addf %add3A_406, %slice3A_407 : vector<8x1024xf32>
    %slice3A_409 = vector.extract_strided_slice %div3A_37 {offsets = [1432, 0], sizes = [8, 1024], strides = [1, 1]} : vector<2048x1024xf32> to vector<8x1024xf32>
    %add3A_410 = arith.addf %add3A_408, %slice3A_409 : vector<8x1024xf32>
    %slice3A_411 = vector.extract_strided_slice %div3A_37 {offsets = [1440, 0], sizes = [8, 1024], strides = [1, 1]} : vector<2048x1024xf32> to vector<8x1024xf32>
    %add3A_412 = arith.addf %add3A_410, %slice3A_411 : vector<8x1024xf32>
    %slice3A_413 = vector.extract_strided_slice %div3A_37 {offsets = [1448, 0], sizes = [8, 1024], strides = [1, 1]} : vector<2048x1024xf32> to vector<8x1024xf32>
    %add3A_414 = arith.addf %add3A_412, %slice3A_413 : vector<8x1024xf32>
    %slice3A_415 = vector.extract_strided_slice %div3A_37 {offsets = [1456, 0], sizes = [8, 1024], strides = [1, 1]} : vector<2048x1024xf32> to vector<8x1024xf32>
    %add3A_416 = arith.addf %add3A_414, %slice3A_415 : vector<8x1024xf32>
    %slice3A_417 = vector.extract_strided_slice %div3A_37 {offsets = [1464, 0], sizes = [8, 1024], strides = [1, 1]} : vector<2048x1024xf32> to vector<8x1024xf32>
    %add3A_418 = arith.addf %add3A_416, %slice3A_417 : vector<8x1024xf32>
    %slice3A_419 = vector.extract_strided_slice %div3A_37 {offsets = [1472, 0], sizes = [8, 1024], strides = [1, 1]} : vector<2048x1024xf32> to vector<8x1024xf32>
    %add3A_420 = arith.addf %add3A_418, %slice3A_419 : vector<8x1024xf32>
    %slice3A_421 = vector.extract_strided_slice %div3A_37 {offsets = [1480, 0], sizes = [8, 1024], strides = [1, 1]} : vector<2048x1024xf32> to vector<8x1024xf32>
    %add3A_422 = arith.addf %add3A_420, %slice3A_421 : vector<8x1024xf32>
    %slice3A_423 = vector.extract_strided_slice %div3A_37 {offsets = [1488, 0], sizes = [8, 1024], strides = [1, 1]} : vector<2048x1024xf32> to vector<8x1024xf32>
    %add3A_424 = arith.addf %add3A_422, %slice3A_423 : vector<8x1024xf32>
    %slice3A_425 = vector.extract_strided_slice %div3A_37 {offsets = [1496, 0], sizes = [8, 1024], strides = [1, 1]} : vector<2048x1024xf32> to vector<8x1024xf32>
    %add3A_426 = arith.addf %add3A_424, %slice3A_425 : vector<8x1024xf32>
    %slice3A_427 = vector.extract_strided_slice %div3A_37 {offsets = [1504, 0], sizes = [8, 1024], strides = [1, 1]} : vector<2048x1024xf32> to vector<8x1024xf32>
    %add3A_428 = arith.addf %add3A_426, %slice3A_427 : vector<8x1024xf32>
    %slice3A_429 = vector.extract_strided_slice %div3A_37 {offsets = [1512, 0], sizes = [8, 1024], strides = [1, 1]} : vector<2048x1024xf32> to vector<8x1024xf32>
    %add3A_430 = arith.addf %add3A_428, %slice3A_429 : vector<8x1024xf32>
    %slice3A_431 = vector.extract_strided_slice %div3A_37 {offsets = [1520, 0], sizes = [8, 1024], strides = [1, 1]} : vector<2048x1024xf32> to vector<8x1024xf32>
    %add3A_432 = arith.addf %add3A_430, %slice3A_431 : vector<8x1024xf32>
    %slice3A_433 = vector.extract_strided_slice %div3A_37 {offsets = [1528, 0], sizes = [8, 1024], strides = [1, 1]} : vector<2048x1024xf32> to vector<8x1024xf32>
    %add3A_434 = arith.addf %add3A_432, %slice3A_433 : vector<8x1024xf32>
    %slice3A_435 = vector.extract_strided_slice %div3A_37 {offsets = [1536, 0], sizes = [8, 1024], strides = [1, 1]} : vector<2048x1024xf32> to vector<8x1024xf32>
    %add3A_436 = arith.addf %add3A_434, %slice3A_435 : vector<8x1024xf32>
    %slice3A_437 = vector.extract_strided_slice %div3A_37 {offsets = [1544, 0], sizes = [8, 1024], strides = [1, 1]} : vector<2048x1024xf32> to vector<8x1024xf32>
    %add3A_438 = arith.addf %add3A_436, %slice3A_437 : vector<8x1024xf32>
    %slice3A_439 = vector.extract_strided_slice %div3A_37 {offsets = [1552, 0], sizes = [8, 1024], strides = [1, 1]} : vector<2048x1024xf32> to vector<8x1024xf32>
    %add3A_440 = arith.addf %add3A_438, %slice3A_439 : vector<8x1024xf32>
    %slice3A_441 = vector.extract_strided_slice %div3A_37 {offsets = [1560, 0], sizes = [8, 1024], strides = [1, 1]} : vector<2048x1024xf32> to vector<8x1024xf32>
    %add3A_442 = arith.addf %add3A_440, %slice3A_441 : vector<8x1024xf32>
    %slice3A_443 = vector.extract_strided_slice %div3A_37 {offsets = [1568, 0], sizes = [8, 1024], strides = [1, 1]} : vector<2048x1024xf32> to vector<8x1024xf32>
    %add3A_444 = arith.addf %add3A_442, %slice3A_443 : vector<8x1024xf32>
    %slice3A_445 = vector.extract_strided_slice %div3A_37 {offsets = [1576, 0], sizes = [8, 1024], strides = [1, 1]} : vector<2048x1024xf32> to vector<8x1024xf32>
    %add3A_446 = arith.addf %add3A_444, %slice3A_445 : vector<8x1024xf32>
    %slice3A_447 = vector.extract_strided_slice %div3A_37 {offsets = [1584, 0], sizes = [8, 1024], strides = [1, 1]} : vector<2048x1024xf32> to vector<8x1024xf32>
    %add3A_448 = arith.addf %add3A_446, %slice3A_447 : vector<8x1024xf32>
    %slice3A_449 = vector.extract_strided_slice %div3A_37 {offsets = [1592, 0], sizes = [8, 1024], strides = [1, 1]} : vector<2048x1024xf32> to vector<8x1024xf32>
    %add3A_450 = arith.addf %add3A_448, %slice3A_449 : vector<8x1024xf32>
    %slice3A_451 = vector.extract_strided_slice %div3A_37 {offsets = [1600, 0], sizes = [8, 1024], strides = [1, 1]} : vector<2048x1024xf32> to vector<8x1024xf32>
    %add3A_452 = arith.addf %add3A_450, %slice3A_451 : vector<8x1024xf32>
    %slice3A_453 = vector.extract_strided_slice %div3A_37 {offsets = [1608, 0], sizes = [8, 1024], strides = [1, 1]} : vector<2048x1024xf32> to vector<8x1024xf32>
    %add3A_454 = arith.addf %add3A_452, %slice3A_453 : vector<8x1024xf32>
    %slice3A_455 = vector.extract_strided_slice %div3A_37 {offsets = [1616, 0], sizes = [8, 1024], strides = [1, 1]} : vector<2048x1024xf32> to vector<8x1024xf32>
    %add3A_456 = arith.addf %add3A_454, %slice3A_455 : vector<8x1024xf32>
    %slice3A_457 = vector.extract_strided_slice %div3A_37 {offsets = [1624, 0], sizes = [8, 1024], strides = [1, 1]} : vector<2048x1024xf32> to vector<8x1024xf32>
    %add3A_458 = arith.addf %add3A_456, %slice3A_457 : vector<8x1024xf32>
    %slice3A_459 = vector.extract_strided_slice %div3A_37 {offsets = [1632, 0], sizes = [8, 1024], strides = [1, 1]} : vector<2048x1024xf32> to vector<8x1024xf32>
    %add3A_460 = arith.addf %add3A_458, %slice3A_459 : vector<8x1024xf32>
    %slice3A_461 = vector.extract_strided_slice %div3A_37 {offsets = [1640, 0], sizes = [8, 1024], strides = [1, 1]} : vector<2048x1024xf32> to vector<8x1024xf32>
    %add3A_462 = arith.addf %add3A_460, %slice3A_461 : vector<8x1024xf32>
    %slice3A_463 = vector.extract_strided_slice %div3A_37 {offsets = [1648, 0], sizes = [8, 1024], strides = [1, 1]} : vector<2048x1024xf32> to vector<8x1024xf32>
    %add3A_464 = arith.addf %add3A_462, %slice3A_463 : vector<8x1024xf32>
    %slice3A_465 = vector.extract_strided_slice %div3A_37 {offsets = [1656, 0], sizes = [8, 1024], strides = [1, 1]} : vector<2048x1024xf32> to vector<8x1024xf32>
    %add3A_466 = arith.addf %add3A_464, %slice3A_465 : vector<8x1024xf32>
    %slice3A_467 = vector.extract_strided_slice %div3A_37 {offsets = [1664, 0], sizes = [8, 1024], strides = [1, 1]} : vector<2048x1024xf32> to vector<8x1024xf32>
    %add3A_468 = arith.addf %add3A_466, %slice3A_467 : vector<8x1024xf32>
    %slice3A_469 = vector.extract_strided_slice %div3A_37 {offsets = [1672, 0], sizes = [8, 1024], strides = [1, 1]} : vector<2048x1024xf32> to vector<8x1024xf32>
    %add3A_470 = arith.addf %add3A_468, %slice3A_469 : vector<8x1024xf32>
    %slice3A_471 = vector.extract_strided_slice %div3A_37 {offsets = [1680, 0], sizes = [8, 1024], strides = [1, 1]} : vector<2048x1024xf32> to vector<8x1024xf32>
    %add3A_472 = arith.addf %add3A_470, %slice3A_471 : vector<8x1024xf32>
    %slice3A_473 = vector.extract_strided_slice %div3A_37 {offsets = [1688, 0], sizes = [8, 1024], strides = [1, 1]} : vector<2048x1024xf32> to vector<8x1024xf32>
    %add3A_474 = arith.addf %add3A_472, %slice3A_473 : vector<8x1024xf32>
    %slice3A_475 = vector.extract_strided_slice %div3A_37 {offsets = [1696, 0], sizes = [8, 1024], strides = [1, 1]} : vector<2048x1024xf32> to vector<8x1024xf32>
    %add3A_476 = arith.addf %add3A_474, %slice3A_475 : vector<8x1024xf32>
    %slice3A_477 = vector.extract_strided_slice %div3A_37 {offsets = [1704, 0], sizes = [8, 1024], strides = [1, 1]} : vector<2048x1024xf32> to vector<8x1024xf32>
    %add3A_478 = arith.addf %add3A_476, %slice3A_477 : vector<8x1024xf32>
    %slice3A_479 = vector.extract_strided_slice %div3A_37 {offsets = [1712, 0], sizes = [8, 1024], strides = [1, 1]} : vector<2048x1024xf32> to vector<8x1024xf32>
    %add3A_480 = arith.addf %add3A_478, %slice3A_479 : vector<8x1024xf32>
    %slice3A_481 = vector.extract_strided_slice %div3A_37 {offsets = [1720, 0], sizes = [8, 1024], strides = [1, 1]} : vector<2048x1024xf32> to vector<8x1024xf32>
    %add3A_482 = arith.addf %add3A_480, %slice3A_481 : vector<8x1024xf32>
    %slice3A_483 = vector.extract_strided_slice %div3A_37 {offsets = [1728, 0], sizes = [8, 1024], strides = [1, 1]} : vector<2048x1024xf32> to vector<8x1024xf32>
    %add3A_484 = arith.addf %add3A_482, %slice3A_483 : vector<8x1024xf32>
    %slice3A_485 = vector.extract_strided_slice %div3A_37 {offsets = [1736, 0], sizes = [8, 1024], strides = [1, 1]} : vector<2048x1024xf32> to vector<8x1024xf32>
    %add3A_486 = arith.addf %add3A_484, %slice3A_485 : vector<8x1024xf32>
    %slice3A_487 = vector.extract_strided_slice %div3A_37 {offsets = [1744, 0], sizes = [8, 1024], strides = [1, 1]} : vector<2048x1024xf32> to vector<8x1024xf32>
    %add3A_488 = arith.addf %add3A_486, %slice3A_487 : vector<8x1024xf32>
    %slice3A_489 = vector.extract_strided_slice %div3A_37 {offsets = [1752, 0], sizes = [8, 1024], strides = [1, 1]} : vector<2048x1024xf32> to vector<8x1024xf32>
    %add3A_490 = arith.addf %add3A_488, %slice3A_489 : vector<8x1024xf32>
    %slice3A_491 = vector.extract_strided_slice %div3A_37 {offsets = [1760, 0], sizes = [8, 1024], strides = [1, 1]} : vector<2048x1024xf32> to vector<8x1024xf32>
    %add3A_492 = arith.addf %add3A_490, %slice3A_491 : vector<8x1024xf32>
    %slice3A_493 = vector.extract_strided_slice %div3A_37 {offsets = [1768, 0], sizes = [8, 1024], strides = [1, 1]} : vector<2048x1024xf32> to vector<8x1024xf32>
    %add3A_494 = arith.addf %add3A_492, %slice3A_493 : vector<8x1024xf32>
    %slice3A_495 = vector.extract_strided_slice %div3A_37 {offsets = [1776, 0], sizes = [8, 1024], strides = [1, 1]} : vector<2048x1024xf32> to vector<8x1024xf32>
    %add3A_496 = arith.addf %add3A_494, %slice3A_495 : vector<8x1024xf32>
    %slice3A_497 = vector.extract_strided_slice %div3A_37 {offsets = [1784, 0], sizes = [8, 1024], strides = [1, 1]} : vector<2048x1024xf32> to vector<8x1024xf32>
    %add3A_498 = arith.addf %add3A_496, %slice3A_497 : vector<8x1024xf32>
    %slice3A_499 = vector.extract_strided_slice %div3A_37 {offsets = [1792, 0], sizes = [8, 1024], strides = [1, 1]} : vector<2048x1024xf32> to vector<8x1024xf32>
    %add3A_500 = arith.addf %add3A_498, %slice3A_499 : vector<8x1024xf32>
    %slice3A_501 = vector.extract_strided_slice %div3A_37 {offsets = [1800, 0], sizes = [8, 1024], strides = [1, 1]} : vector<2048x1024xf32> to vector<8x1024xf32>
    %add3A_502 = arith.addf %add3A_500, %slice3A_501 : vector<8x1024xf32>
    %slice3A_503 = vector.extract_strided_slice %div3A_37 {offsets = [1808, 0], sizes = [8, 1024], strides = [1, 1]} : vector<2048x1024xf32> to vector<8x1024xf32>
    %add3A_504 = arith.addf %add3A_502, %slice3A_503 : vector<8x1024xf32>
    %slice3A_505 = vector.extract_strided_slice %div3A_37 {offsets = [1816, 0], sizes = [8, 1024], strides = [1, 1]} : vector<2048x1024xf32> to vector<8x1024xf32>
    %add3A_506 = arith.addf %add3A_504, %slice3A_505 : vector<8x1024xf32>
    %slice3A_507 = vector.extract_strided_slice %div3A_37 {offsets = [1824, 0], sizes = [8, 1024], strides = [1, 1]} : vector<2048x1024xf32> to vector<8x1024xf32>
    %add3A_508 = arith.addf %add3A_506, %slice3A_507 : vector<8x1024xf32>
    %slice3A_509 = vector.extract_strided_slice %div3A_37 {offsets = [1832, 0], sizes = [8, 1024], strides = [1, 1]} : vector<2048x1024xf32> to vector<8x1024xf32>
    %add3A_510 = arith.addf %add3A_508, %slice3A_509 : vector<8x1024xf32>
    %slice3A_511 = vector.extract_strided_slice %div3A_37 {offsets = [1840, 0], sizes = [8, 1024], strides = [1, 1]} : vector<2048x1024xf32> to vector<8x1024xf32>
    %add3A_512 = arith.addf %add3A_510, %slice3A_511 : vector<8x1024xf32>
    %slice3A_513 = vector.extract_strided_slice %div3A_37 {offsets = [1848, 0], sizes = [8, 1024], strides = [1, 1]} : vector<2048x1024xf32> to vector<8x1024xf32>
    %add3A_514 = arith.addf %add3A_512, %slice3A_513 : vector<8x1024xf32>
    %slice3A_515 = vector.extract_strided_slice %div3A_37 {offsets = [1856, 0], sizes = [8, 1024], strides = [1, 1]} : vector<2048x1024xf32> to vector<8x1024xf32>
    %add3A_516 = arith.addf %add3A_514, %slice3A_515 : vector<8x1024xf32>
    %slice3A_517 = vector.extract_strided_slice %div3A_37 {offsets = [1864, 0], sizes = [8, 1024], strides = [1, 1]} : vector<2048x1024xf32> to vector<8x1024xf32>
    %add3A_518 = arith.addf %add3A_516, %slice3A_517 : vector<8x1024xf32>
    %slice3A_519 = vector.extract_strided_slice %div3A_37 {offsets = [1872, 0], sizes = [8, 1024], strides = [1, 1]} : vector<2048x1024xf32> to vector<8x1024xf32>
    %add3A_520 = arith.addf %add3A_518, %slice3A_519 : vector<8x1024xf32>
    %slice3A_521 = vector.extract_strided_slice %div3A_37 {offsets = [1880, 0], sizes = [8, 1024], strides = [1, 1]} : vector<2048x1024xf32> to vector<8x1024xf32>
    %add3A_522 = arith.addf %add3A_520, %slice3A_521 : vector<8x1024xf32>
    %slice3A_523 = vector.extract_strided_slice %div3A_37 {offsets = [1888, 0], sizes = [8, 1024], strides = [1, 1]} : vector<2048x1024xf32> to vector<8x1024xf32>
    %add3A_524 = arith.addf %add3A_522, %slice3A_523 : vector<8x1024xf32>
    %slice3A_525 = vector.extract_strided_slice %div3A_37 {offsets = [1896, 0], sizes = [8, 1024], strides = [1, 1]} : vector<2048x1024xf32> to vector<8x1024xf32>
    %add3A_526 = arith.addf %add3A_524, %slice3A_525 : vector<8x1024xf32>
    %slice3A_527 = vector.extract_strided_slice %div3A_37 {offsets = [1904, 0], sizes = [8, 1024], strides = [1, 1]} : vector<2048x1024xf32> to vector<8x1024xf32>
    %add3A_528 = arith.addf %add3A_526, %slice3A_527 : vector<8x1024xf32>
    %slice3A_529 = vector.extract_strided_slice %div3A_37 {offsets = [1912, 0], sizes = [8, 1024], strides = [1, 1]} : vector<2048x1024xf32> to vector<8x1024xf32>
    %add3A_530 = arith.addf %add3A_528, %slice3A_529 : vector<8x1024xf32>
    %slice3A_531 = vector.extract_strided_slice %div3A_37 {offsets = [1920, 0], sizes = [8, 1024], strides = [1, 1]} : vector<2048x1024xf32> to vector<8x1024xf32>
    %add3A_532 = arith.addf %add3A_530, %slice3A_531 : vector<8x1024xf32>
    %slice3A_533 = vector.extract_strided_slice %div3A_37 {offsets = [1928, 0], sizes = [8, 1024], strides = [1, 1]} : vector<2048x1024xf32> to vector<8x1024xf32>
    %add3A_534 = arith.addf %add3A_532, %slice3A_533 : vector<8x1024xf32>
    %slice3A_535 = vector.extract_strided_slice %div3A_37 {offsets = [1936, 0], sizes = [8, 1024], strides = [1, 1]} : vector<2048x1024xf32> to vector<8x1024xf32>
    %add3A_536 = arith.addf %add3A_534, %slice3A_535 : vector<8x1024xf32>
    %slice3A_537 = vector.extract_strided_slice %div3A_37 {offsets = [1944, 0], sizes = [8, 1024], strides = [1, 1]} : vector<2048x1024xf32> to vector<8x1024xf32>
    %add3A_538 = arith.addf %add3A_536, %slice3A_537 : vector<8x1024xf32>
    %slice3A_539 = vector.extract_strided_slice %div3A_37 {offsets = [1952, 0], sizes = [8, 1024], strides = [1, 1]} : vector<2048x1024xf32> to vector<8x1024xf32>
    %add3A_540 = arith.addf %add3A_538, %slice3A_539 : vector<8x1024xf32>
    %slice3A_541 = vector.extract_strided_slice %div3A_37 {offsets = [1960, 0], sizes = [8, 1024], strides = [1, 1]} : vector<2048x1024xf32> to vector<8x1024xf32>
    %add3A_542 = arith.addf %add3A_540, %slice3A_541 : vector<8x1024xf32>
    %slice3A_543 = vector.extract_strided_slice %div3A_37 {offsets = [1968, 0], sizes = [8, 1024], strides = [1, 1]} : vector<2048x1024xf32> to vector<8x1024xf32>
    %add3A_544 = arith.addf %add3A_542, %slice3A_543 : vector<8x1024xf32>
    %slice3A_545 = vector.extract_strided_slice %div3A_37 {offsets = [1976, 0], sizes = [8, 1024], strides = [1, 1]} : vector<2048x1024xf32> to vector<8x1024xf32>
    %add3A_546 = arith.addf %add3A_544, %slice3A_545 : vector<8x1024xf32>
    %slice3A_547 = vector.extract_strided_slice %div3A_37 {offsets = [1984, 0], sizes = [8, 1024], strides = [1, 1]} : vector<2048x1024xf32> to vector<8x1024xf32>
    %add3A_548 = arith.addf %add3A_546, %slice3A_547 : vector<8x1024xf32>
    %slice3A_549 = vector.extract_strided_slice %div3A_37 {offsets = [1992, 0], sizes = [8, 1024], strides = [1, 1]} : vector<2048x1024xf32> to vector<8x1024xf32>
    %add3A_550 = arith.addf %add3A_548, %slice3A_549 : vector<8x1024xf32>
    %slice3A_551 = vector.extract_strided_slice %div3A_37 {offsets = [2000, 0], sizes = [8, 1024], strides = [1, 1]} : vector<2048x1024xf32> to vector<8x1024xf32>
    %add3A_552 = arith.addf %add3A_550, %slice3A_551 : vector<8x1024xf32>
    %slice3A_553 = vector.extract_strided_slice %div3A_37 {offsets = [2008, 0], sizes = [8, 1024], strides = [1, 1]} : vector<2048x1024xf32> to vector<8x1024xf32>
    %add3A_554 = arith.addf %add3A_552, %slice3A_553 : vector<8x1024xf32>
    %slice3A_555 = vector.extract_strided_slice %div3A_37 {offsets = [2016, 0], sizes = [8, 1024], strides = [1, 1]} : vector<2048x1024xf32> to vector<8x1024xf32>
    %add3A_556 = arith.addf %add3A_554, %slice3A_555 : vector<8x1024xf32>
    %slice3A_557 = vector.extract_strided_slice %div3A_37 {offsets = [2024, 0], sizes = [8, 1024], strides = [1, 1]} : vector<2048x1024xf32> to vector<8x1024xf32>
    %add3A_558 = arith.addf %add3A_556, %slice3A_557 : vector<8x1024xf32>
    %slice3A_559 = vector.extract_strided_slice %div3A_37 {offsets = [2032, 0], sizes = [8, 1024], strides = [1, 1]} : vector<2048x1024xf32> to vector<8x1024xf32>
    %add3A_560 = arith.addf %add3A_558, %slice3A_559 : vector<8x1024xf32>
    %slice3A_561 = vector.extract_strided_slice %div3A_37 {offsets = [2040, 0], sizes = [8, 1024], strides = [1, 1]} : vector<2048x1024xf32> to vector<8x1024xf32>
    %add3A_562 = arith.addf %add3A_560, %slice3A_561 : vector<8x1024xf32>
    %slice3A_563 = vector.extract_strided_slice %add3A_562 {offsets = [0, 0], sizes = [4, 1024], strides = [1, 1]} : vector<8x1024xf32> to vector<4x1024xf32>
    %slice3A_564 = vector.extract_strided_slice %add3A_562 {offsets = [4, 0], sizes = [4, 1024], strides = [1, 1]} : vector<8x1024xf32> to vector<4x1024xf32>
    %add3A_565 = arith.addf %slice3A_563, %slice3A_564 : vector<4x1024xf32>
    %slice3A_566 = vector.extract_strided_slice %add3A_565 {offsets = [0, 0], sizes = [2, 1024], strides = [1, 1]} : vector<4x1024xf32> to vector<2x1024xf32>
    %slice3A_567 = vector.extract_strided_slice %add3A_565 {offsets = [2, 0], sizes = [2, 1024], strides = [1, 1]} : vector<4x1024xf32> to vector<2x1024xf32>
    %add3A_568 = arith.addf %slice3A_566, %slice3A_567 : vector<2x1024xf32>
    %slice3A_569 = vector.extract_strided_slice %add3A_568 {offsets = [0, 0], sizes = [1, 1024], strides = [1, 1]} : vector<2x1024xf32> to vector<1x1024xf32>
    %slice3A_570 = vector.extract_strided_slice %add3A_568 {offsets = [1, 0], sizes = [1, 1024], strides = [1, 1]} : vector<2x1024xf32> to vector<1x1024xf32>
    %add3A_571 = arith.addf %slice3A_569, %slice3A_570 : vector<1x1024xf32>
    %add3A_572 = arith.addf %add3A_307, %add3A_571 : vector<1x1024xf32>
    %swap3A_573 = arith.constant 0 : index
    %swap3A_574 = arith.constant 0 : index
    %swap3A_575 = vector.load %arg6[%swap3A_573, %swap3A_574] : memref<1x1024xf32, #tpu.memory_space<vmem>>, vector<1x1024xf32>
    tpu.vector_store %arg6[%swap3A_573, %swap3A_574], %add3A_572 {strides = array<i32>} : memref<1x1024xf32, #tpu.memory_space<vmem>>, vector<1x1024xf32>,
    %get3A_576 = arith.constant 0 : index
    %get3A_577 = arith.constant 0 : index
    %get3A_578 = vector.load %arg7[%get3A_576, %get3A_577] : memref<1024x256xf32, #tpu.memory_space<vmem>>, vector<1024x256xf32>
    %convert_element_type3A_579 = arith.truncf %div3A_37 : vector<2048x1024xf32> to vector<2048x1024xbf16>
    %convert_element_type3A_580 = arith.truncf %get3A_1 : vector<2048x256xf32> to vector<2048x256xbf16>
    %dot_general3A_581 = arith.constant dense<0.000000e+00> : vector<1024x256xf32>
    %dot_general3A_582 = tpu.matmul %convert_element_type3A_579, %convert_element_type3A_580, %dot_general3A_581 {dimension_numbers = #tpu.dot_dimension_numbers<[0], [0], [1], [1], [0, 1, 1, 1], [], []>, transpose_lhs_hint = false} : vector<2048x1024xbf16>, vector<2048x256xbf16>, vector<1024x256xf32> -> vector<1024x256xf32>
    %add3A_583 = arith.addf %get3A_578, %dot_general3A_582 : vector<1024x256xf32>
    %swap3A_584 = arith.constant 0 : index
    %swap3A_585 = arith.constant 0 : index
    %swap3A_586 = vector.load %arg7[%swap3A_584, %swap3A_585] : memref<1024x256xf32, #tpu.memory_space<vmem>>, vector<1024x256xf32>
    tpu.vector_store %arg7[%swap3A_584, %swap3A_585], %add3A_583 {strides = array<i32>} : memref<1024x256xf32, #tpu.memory_space<vmem>>, vector<1024x256xf32>,
    return
  }
  func.func @transform_0(%arg0: i32) -> (i32, i32) {
    %c0_i32 = arith.constant 0 : i32
    %c0_i32_0 = arith.constant 0 : i32
    return %arg0, %c0_i32 : i32, i32
  }
  func.func @transform_1(%arg0: i32) -> (i32, i32) {
    %c0_i32 = arith.constant 0 : i32
    %c0_i32_0 = arith.constant 0 : i32
    %c0_i32_1 = arith.constant 0 : i32
    return %c0_i32, %c0_i32_0 : i32, i32
  }
  func.func @transform_2(%arg0: i32) -> (i32, i32) {
    %c0_i32 = arith.constant 0 : i32
    %c0_i32_0 = arith.constant 0 : i32
    %c0_i32_1 = arith.constant 0 : i32
    return %c0_i32, %c0_i32_0 : i32, i32
  }
  func.func @transform_3(%arg0: i32) -> (i32, i32) {
    %c0_i32 = arith.constant 0 : i32
    %c0_i32_0 = arith.constant 0 : i32
    %c0_i32_1 = arith.constant 0 : i32
    return %c0_i32, %c0_i32_0 : i32, i32
  }
  func.func @transform_4(%arg0: i32) -> (i32, i32) {
    %c0_i32 = arith.constant 0 : i32
    %c0_i32_0 = arith.constant 0 : i32
    return %arg0, %c0_i32 : i32, i32
  }
  func.func @transform_5(%arg0: i32) -> (i32, i32) {
    %c0_i32 = arith.constant 0 : i32
    %c0_i32_0 = arith.constant 0 : i32
    %c0_i32_1 = arith.constant 0 : i32
    return %c0_i32, %c0_i32_0 : i32, i32
  }
  func.func @transform_6(%arg0: i32) -> (i32, i32) {
    %c0_i32 = arith.constant 0 : i32
    %c0_i32_0 = arith.constant 0 : i32
    %c0_i32_1 = arith.constant 0 : i32
    return %c0_i32, %c0_i32_0 : i32, i32
  }
}

module attributes {stable_mosaic.version = 14 : i64} {
  func.func @_zout_kernel(%arg0: i32, %arg1: memref<2048x256xf32, #tpu.memory_space<vmem>>, %arg2: memref<1024x256xf32, #tpu.memory_space<vmem>>, %arg3: memref<1x1024xf32, #tpu.memory_space<vmem>>, %arg4: memref<1x1024xf32, #tpu.memory_space<vmem>>, %arg5: memref<1x1024xf32, #tpu.memory_space<vmem>>, %arg6: memref<2048x1xf32, #tpu.memory_space<vmem>>, %arg7: memref<2048x1024xf32, #tpu.memory_space<vmem>>) attributes {dimension_semantics = [#tpu.dimension_semantics<arbitrary>], iteration_bounds = array<i64: 8>, scalar_prefetch = 0 : i64, scratch_operands = 0 : i64, tpu.core_type = #tpu.core_type<tc>, window_params = [{transform_indices = @transform_0, window_bounds = array<i64: 2048, 256>}, {pipeline_mode = #tpu.pipeline_mode<synchronous>, transform_indices = @transform_1, window_bounds = array<i64: 1024, 256>}, {pipeline_mode = #tpu.pipeline_mode<synchronous>, transform_indices = @transform_2, window_bounds = array<i64: 1, 1024>}, {pipeline_mode = #tpu.pipeline_mode<synchronous>, transform_indices = @transform_3, window_bounds = array<i64: 1, 1024>}, {pipeline_mode = #tpu.pipeline_mode<synchronous>, transform_indices = @transform_4, window_bounds = array<i64: 1, 1024>}, {transform_indices = @transform_5, window_bounds = array<i64: 2048, 1>}, {transform_indices = @transform_6, window_bounds = array<i64: 2048, 1024>}]} {
    %get3A = arith.constant 0 : index
    %get3A_0 = arith.constant 0 : index
    %get3A_1 = vector.load %arg1[%get3A, %get3A_0] : memref<2048x256xf32, #tpu.memory_space<vmem>>, vector<2048x256xf32>
    %get3A_2 = arith.constant 0 : index
    %get3A_3 = arith.constant 0 : index
    %get3A_4 = vector.load %arg2[%get3A_2, %get3A_3] : memref<1024x256xf32, #tpu.memory_space<vmem>>, vector<1024x256xf32>
    %mul3A = arith.mulf %get3A_1, %get3A_1 : vector<2048x256xf32>
    %reduce_sum3A = arith.constant dense<0.000000e+00> : vector<2048xf32>
    %reduce_sum3A_5 = vector.multi_reduction <add>, %mul3A, %reduce_sum3A [1] : vector<2048x256xf32> to vector<2048xf32>
    %broadcast_in_dim3A = vector.shape_cast %reduce_sum3A_5 : vector<2048xf32> to vector<2048x1xf32>
    %convert_element_type3A = arith.truncf %get3A_1 : vector<2048x256xf32> to vector<2048x256xbf16>
    %convert_element_type3A_6 = arith.truncf %get3A_4 : vector<1024x256xf32> to vector<1024x256xbf16>
    %dot_general3A = arith.constant dense<0.000000e+00> : vector<2048x1024xf32>
    %dot_general3A_7 = tpu.matmul %convert_element_type3A, %convert_element_type3A_6, %dot_general3A {dimension_numbers = #tpu.dot_dimension_numbers<[1], [1], [0], [0], [0, 0, 1, 0], [], []>, transpose_lhs_hint = false} : vector<2048x256xbf16>, vector<1024x256xbf16>, vector<2048x1024xf32> -> vector<2048x1024xf32>
    %get3A_8 = arith.constant 0 : index
    %get3A_9 = arith.constant 0 : index
    %get3A_10 = vector.load %arg3[%get3A_8, %get3A_9] : memref<1x1024xf32, #tpu.memory_space<vmem>>, vector<1x1024xf32>
    %mul3A_11 = arith.constant 2.000000e+00 : f32
    %mul3A_12 = vector.broadcast %mul3A_11 : f32 to vector<2048x1024xf32>
    %mul3A_13 = arith.mulf %mul3A_12, %dot_general3A_7 : vector<2048x1024xf32>
    %sub3A = vector.broadcast %broadcast_in_dim3A : vector<2048x1xf32> to vector<2048x1024xf32>
    %sub3A_14 = arith.subf %sub3A, %mul3A_13 : vector<2048x1024xf32>
    %get3A_15 = arith.constant 0 : index
    %get3A_16 = arith.constant 0 : index
    %get3A_17 = vector.load %arg4[%get3A_15, %get3A_16] : memref<1x1024xf32, #tpu.memory_space<vmem>>, vector<1x1024xf32>
    %add3A = vector.broadcast %get3A_17 : vector<1x1024xf32> to vector<2048x1024xf32>
    %add3A_18 = arith.addf %sub3A_14, %add3A : vector<2048x1024xf32>
    %mul3A_19 = arith.constant 5.000000e-01 : f32
    %mul3A_20 = vector.broadcast %mul3A_19 : f32 to vector<2048x1024xf32>
    %mul3A_21 = arith.mulf %mul3A_20, %add3A_18 : vector<2048x1024xf32>
    %sub3A_22 = vector.broadcast %get3A_10 : vector<1x1024xf32> to vector<2048x1024xf32>
    %sub3A_23 = arith.subf %sub3A_22, %mul3A_21 : vector<2048x1024xf32>
    %sub3A_24 = arith.constant 235.248276 : f32
    %sub3A_25 = vector.broadcast %sub3A_24 : f32 to vector<2048x1024xf32>
    %sub3A_26 = arith.subf %sub3A_23, %sub3A_25 : vector<2048x1024xf32>
    %get3A_27 = arith.constant 0 : index
    %get3A_28 = arith.constant 0 : index
    %get3A_29 = vector.load %arg6[%get3A_27, %get3A_28] : memref<2048x1xf32, #tpu.memory_space<vmem>>, vector<2048x1xf32>
    %sub3A_30 = vector.broadcast %get3A_29 : vector<2048x1xf32> to vector<2048x1024xf32>
    %sub3A_31 = arith.subf %sub3A_26, %sub3A_30 : vector<2048x1024xf32>
    %exp3A = math.exp %sub3A_31 : vector<2048x1024xf32>
    %get3A_32 = arith.constant 0 : index
    %get3A_33 = arith.constant 0 : index
    %get3A_34 = vector.load %arg5[%get3A_32, %get3A_33] : memref<1x1024xf32, #tpu.memory_space<vmem>>, vector<1x1024xf32>
    %mul3A_35 = vector.broadcast %get3A_34 : vector<1x1024xf32> to vector<2048x1024xf32>
    %mul3A_36 = arith.mulf %exp3A, %mul3A_35 : vector<2048x1024xf32>
    %swap3A = arith.constant 0 : index
    %swap3A_37 = arith.constant 0 : index
    %swap3A_38 = vector.load %arg7[%swap3A, %swap3A_37] : memref<2048x1024xf32, #tpu.memory_space<vmem>>, vector<2048x1024xf32>
    tpu.vector_store %arg7[%swap3A, %swap3A_37], %mul3A_36 {strides = array<i32>} : memref<2048x1024xf32, #tpu.memory_space<vmem>>, vector<2048x1024xf32>,
    return
  }
  func.func @transform_0(%arg0: i32) -> (i32, i32) {
    %c0_i32 = arith.constant 0 : i32
    %c0_i32_0 = arith.constant 0 : i32
    return %arg0, %c0_i32 : i32, i32
  }
  func.func @transform_1(%arg0: i32) -> (i32, i32) {
    %c0_i32 = arith.constant 0 : i32
    %c0_i32_0 = arith.constant 0 : i32
    %c0_i32_1 = arith.constant 0 : i32
    return %c0_i32, %c0_i32_0 : i32, i32
  }
  func.func @transform_2(%arg0: i32) -> (i32, i32) {
    %c0_i32 = arith.constant 0 : i32
    %c0_i32_0 = arith.constant 0 : i32
    %c0_i32_1 = arith.constant 0 : i32
    return %c0_i32, %c0_i32_0 : i32, i32
  }
  func.func @transform_3(%arg0: i32) -> (i32, i32) {
    %c0_i32 = arith.constant 0 : i32
    %c0_i32_0 = arith.constant 0 : i32
    %c0_i32_1 = arith.constant 0 : i32
    return %c0_i32, %c0_i32_0 : i32, i32
  }
  func.func @transform_4(%arg0: i32) -> (i32, i32) {
    %c0_i32 = arith.constant 0 : i32
    %c0_i32_0 = arith.constant 0 : i32
    %c0_i32_1 = arith.constant 0 : i32
    return %c0_i32, %c0_i32_0 : i32, i32
  }
  func.func @transform_5(%arg0: i32) -> (i32, i32) {
    %c0_i32 = arith.constant 0 : i32
    %c0_i32_0 = arith.constant 0 : i32
    return %arg0, %c0_i32 : i32, i32
  }
  func.func @transform_6(%arg0: i32) -> (i32, i32) {
    %c0_i32 = arith.constant 0 : i32
    %c0_i32_0 = arith.constant 0 : i32
    return %arg0, %c0_i32 : i32, i32
  }
}

module attributes {stable_mosaic.version = 14 : i64} {
  func.func @_sort_kernel(%arg0: memref<1x1024xf32, #tpu.memory_space<vmem>>, %arg1: memref<1x1024xi32, #tpu.memory_space<vmem>>, %arg2: memref<1024x256xf32, #tpu.memory_space<vmem>>, %arg3: memref<1x1024xf32, #tpu.memory_space<vmem>>, %arg4: memref<1x1024xf32, #tpu.memory_space<vmem>>, %arg5: memref<1024x256xf32, #tpu.memory_space<vmem>>, %arg6: memref<1x1024xf32, #tpu.memory_space<vmem>>, %arg7: memref<1x1024xf32, #tpu.memory_space<vmem>>, %arg8: memref<1x1024xf32, #tpu.memory_space<vmem>>, %arg9: memref<1024x256xf32, #tpu.memory_space<vmem>>, %arg10: memref<1024x256xf32, #tpu.memory_space<vmem>>, %arg11: memref<1x1024xf32, #tpu.memory_space<vmem>>) attributes {dimension_semantics = [], scalar_prefetch = 0 : i64, scratch_operands = 0 : i64, tpu.core_type = #tpu.core_type<tc>} {
    %get3A = arith.constant 0 : index
    %get3A_0 = arith.constant 0 : index
    %get3A_1 = vector.load %arg0[%get3A, %get3A_0] : memref<1x1024xf32, #tpu.memory_space<vmem>>, vector<1x1024xf32>
    %get3A_2 = arith.constant 0 : index
    %get3A_3 = arith.constant 0 : index
    %get3A_4 = vector.load %arg1[%get3A_2, %get3A_3] : memref<1x1024xi32, #tpu.memory_space<vmem>>, vector<1x1024xi32>
    %iota3A = tpu.iota {dimensions = array<i32: 0>} : vector<1024x1024xi32>
    %eq3A = vector.broadcast %get3A_4 : vector<1x1024xi32> to vector<1024x1024xi32>
    %eq3A_5 = arith.cmpi eq, %iota3A, %eq3A : vector<1024x1024xi32>
    %convert_element_type3A = arith.extui %eq3A_5 : vector<1024x1024xi1> to vector<1024x1024xi32>
    %convert_element_type3A_6 = arith.sitofp %convert_element_type3A : vector<1024x1024xi32> to vector<1024x1024xf32>
    %mul3A = vector.broadcast %get3A_1 : vector<1x1024xf32> to vector<1024x1024xf32>
    %mul3A_7 = arith.mulf %convert_element_type3A_6, %mul3A : vector<1024x1024xf32>
    %reduce_sum3A = arith.constant dense<0.000000e+00> : vector<1024xf32>
    %reduce_sum3A_8 = vector.multi_reduction <add>, %mul3A_7, %reduce_sum3A [1] : vector<1024x1024xf32> to vector<1024xf32>
    %broadcast_in_dim3A = vector.shape_cast %reduce_sum3A_8 : vector<1024xf32> to vector<1x1024xf32>
    %gt3A = arith.constant 2.000000e+00 : f32
    %gt3A_9 = vector.broadcast %gt3A : f32 to vector<1x1024xf32>
    %gt3A_10 = arith.cmpf ogt, %broadcast_in_dim3A, %gt3A_9 : vector<1x1024xf32>
    %convert_element_type3A_11 = arith.extui %gt3A_10 : vector<1x1024xi1> to vector<1x1024xi32>
    %convert_element_type3A_12 = arith.sitofp %convert_element_type3A_11 : vector<1x1024xi32> to vector<1x1024xf32>
    %swap3A = arith.constant 0 : index
    %swap3A_13 = arith.constant 0 : index
    %swap3A_14 = vector.load %arg6[%swap3A, %swap3A_13] : memref<1x1024xf32, #tpu.memory_space<vmem>>, vector<1x1024xf32>
    tpu.vector_store %arg6[%swap3A, %swap3A_13], %convert_element_type3A_12 {strides = array<i32>} : memref<1x1024xf32, #tpu.memory_space<vmem>>, vector<1x1024xf32>,
    %get3A_15 = arith.constant 0 : index
    %get3A_16 = arith.constant 0 : index
    %get3A_17 = vector.load %arg3[%get3A_15, %get3A_16] : memref<1x1024xf32, #tpu.memory_space<vmem>>, vector<1x1024xf32>
    %mul3A_18 = vector.broadcast %get3A_17 : vector<1x1024xf32> to vector<1024x1024xf32>
    %mul3A_19 = arith.mulf %convert_element_type3A_6, %mul3A_18 : vector<1024x1024xf32>
    %reduce_sum3A_20 = arith.constant dense<0.000000e+00> : vector<1024xf32>
    %reduce_sum3A_21 = vector.multi_reduction <add>, %mul3A_19, %reduce_sum3A_20 [1] : vector<1024x1024xf32> to vector<1024xf32>
    %broadcast_in_dim3A_22 = vector.shape_cast %reduce_sum3A_21 : vector<1024xf32> to vector<1x1024xf32>
    %swap3A_23 = arith.constant 0 : index
    %swap3A_24 = arith.constant 0 : index
    %swap3A_25 = vector.load %arg7[%swap3A_23, %swap3A_24] : memref<1x1024xf32, #tpu.memory_space<vmem>>, vector<1x1024xf32>
    tpu.vector_store %arg7[%swap3A_23, %swap3A_24], %broadcast_in_dim3A_22 {strides = array<i32>} : memref<1x1024xf32, #tpu.memory_space<vmem>>, vector<1x1024xf32>,
    %get3A_26 = arith.constant 0 : index
    %get3A_27 = arith.constant 0 : index
    %get3A_28 = vector.load %arg4[%get3A_26, %get3A_27] : memref<1x1024xf32, #tpu.memory_space<vmem>>, vector<1x1024xf32>
    %mul3A_29 = vector.broadcast %get3A_28 : vector<1x1024xf32> to vector<1024x1024xf32>
    %mul3A_30 = arith.mulf %convert_element_type3A_6, %mul3A_29 : vector<1024x1024xf32>
    %reduce_sum3A_31 = arith.constant dense<0.000000e+00> : vector<1024xf32>
    %reduce_sum3A_32 = vector.multi_reduction <add>, %mul3A_30, %reduce_sum3A_31 [1] : vector<1024x1024xf32> to vector<1024xf32>
    %broadcast_in_dim3A_33 = vector.shape_cast %reduce_sum3A_32 : vector<1024xf32> to vector<1x1024xf32>
    %swap3A_34 = arith.constant 0 : index
    %swap3A_35 = arith.constant 0 : index
    %swap3A_36 = vector.load %arg8[%swap3A_34, %swap3A_35] : memref<1x1024xf32, #tpu.memory_space<vmem>>, vector<1x1024xf32>
    tpu.vector_store %arg8[%swap3A_34, %swap3A_35], %broadcast_in_dim3A_33 {strides = array<i32>} : memref<1x1024xf32, #tpu.memory_space<vmem>>, vector<1x1024xf32>,
    %get3A_37 = arith.constant 0 : index
    %get3A_38 = arith.constant 0 : index
    %get3A_39 = vector.load %arg2[%get3A_37, %get3A_38] : memref<1024x256xf32, #tpu.memory_space<vmem>>, vector<1024x256xf32>
    %dot_general3A = arith.constant dense<0.000000e+00> : vector<1024x256xf32>
    %dot_general3A_40 = tpu.matmul %convert_element_type3A_6, %get3A_39, %dot_general3A {dimension_numbers = #tpu.dot_dimension_numbers<[1], [0], [0], [1], [0, 0, 1, 1], [], []>, precision = #tpu.contract_precision<fp32>, transpose_lhs_hint = false} : vector<1024x1024xf32>, vector<1024x256xf32>, vector<1024x256xf32> -> vector<1024x256xf32>
    %swap3A_41 = arith.constant 0 : index
    %swap3A_42 = arith.constant 0 : index
    %swap3A_43 = vector.load %arg9[%swap3A_41, %swap3A_42] : memref<1024x256xf32, #tpu.memory_space<vmem>>, vector<1024x256xf32>
    tpu.vector_store %arg9[%swap3A_41, %swap3A_42], %dot_general3A_40 {strides = array<i32>} : memref<1024x256xf32, #tpu.memory_space<vmem>>, vector<1024x256xf32>,
    %get3A_44 = arith.constant 0 : index
    %get3A_45 = arith.constant 0 : index
    %get3A_46 = vector.load %arg5[%get3A_44, %get3A_45] : memref<1024x256xf32, #tpu.memory_space<vmem>>, vector<1024x256xf32>
    %dot_general3A_47 = arith.constant dense<0.000000e+00> : vector<1024x256xf32>
    %dot_general3A_48 = tpu.matmul %convert_element_type3A_6, %get3A_46, %dot_general3A_47 {dimension_numbers = #tpu.dot_dimension_numbers<[1], [0], [0], [1], [0, 0, 1, 1], [], []>, precision = #tpu.contract_precision<fp32>, transpose_lhs_hint = false} : vector<1024x1024xf32>, vector<1024x256xf32>, vector<1024x256xf32> -> vector<1024x256xf32>
    %mul3A_49 = arith.mulf %broadcast_in_dim3A, %convert_element_type3A_12 : vector<1x1024xf32>
    %reduce_sum3A_50 = vector.shape_cast %mul3A_49 : vector<1x1024xf32> to vector<1x1x1024xf32>
    %reduce_sum3A_51 = arith.constant dense<0.000000e+00> : vector<1xf32>
    %reduce_sum3A_52 = vector.multi_reduction <add>, %reduce_sum3A_50, %reduce_sum3A_51 [1, 2] : vector<1x1x1024xf32> to vector<1xf32>
    %reduce_sum3A_53 = vector.shape_cast %reduce_sum3A_52 : vector<1xf32> to vector<1x1x1xf32>
    %reduce_sum3A_54 = vector.extract %reduce_sum3A_53[0, 0, 0] : f32 from vector<1x1x1xf32>
    %add3A = arith.constant 9.99999993E-9 : f32
    %add3A_55 = arith.addf %reduce_sum3A_54, %add3A : f32
    %div3A = vector.broadcast %add3A_55 : f32 to vector<1x1024xf32>
    %div3A_56 = arith.divf %mul3A_49, %div3A : vector<1x1024xf32>
    %swap3A_57 = arith.constant 0 : index
    %swap3A_58 = arith.constant 0 : index
    %swap3A_59 = vector.load %arg11[%swap3A_57, %swap3A_58] : memref<1x1024xf32, #tpu.memory_space<vmem>>, vector<1x1024xf32>
    tpu.vector_store %arg11[%swap3A_57, %swap3A_58], %div3A_56 {strides = array<i32>} : memref<1x1024xf32, #tpu.memory_space<vmem>>, vector<1x1024xf32>,
    %reshape3A = vector.shape_cast %convert_element_type3A_12 : vector<1x1024xf32> to vector<1024x1xf32>
    %mul3A_60 = vector.broadcast %reshape3A : vector<1024x1xf32> to vector<1024x256xf32>
    %mul3A_61 = arith.mulf %dot_general3A_48, %mul3A_60 : vector<1024x256xf32>
    %reshape3A_62 = vector.shape_cast %mul3A_49 : vector<1x1024xf32> to vector<1024x1xf32>
    %add3A_63 = arith.constant 9.99999993E-9 : f32
    %add3A_64 = vector.broadcast %add3A_63 : f32 to vector<1024x1xf32>
    %add3A_65 = arith.addf %reshape3A_62, %add3A_64 : vector<1024x1xf32>
    %div3A_66 = vector.broadcast %add3A_65 : vector<1024x1xf32> to vector<1024x256xf32>
    %div3A_67 = arith.divf %mul3A_61, %div3A_66 : vector<1024x256xf32>
    %swap3A_68 = arith.constant 0 : index
    %swap3A_69 = arith.constant 0 : index
    %swap3A_70 = vector.load %arg10[%swap3A_68, %swap3A_69] : memref<1024x256xf32, #tpu.memory_space<vmem>>, vector<1024x256xf32>
    tpu.vector_store %arg10[%swap3A_68, %swap3A_69], %div3A_67 {strides = array<i32>} : memref<1024x256xf32, #tpu.memory_space<vmem>>, vector<1024x256xf32>,
    return
  }
}

</mosaic_0001>

<sc_bundles>
// kernel: kernel.7.cloned.1.call-start
scs
__scs_entry_jumppad:
0x0: {  	(pc) =	sbr.rel $0x88, $3  }
0x1: {  	(tag) =	ssettag $0x0;
	lr =	simm.s32 $0x1  }
0x2: {  	[smem:$0x3F9E] =	sst lr;
	_ =	strace $0xD0000000  }
0x3: {  	_ = 	snop  }
0x4: {  	_ = 	snop  }
0x5: {  	_ = 	snop  }
0x6: {  	_ = 	snop  }
0x7: {  	_ = 	snop  }
__scs_overlays_trampoline_lowered:
0x8: {  	[smem:$0x3FAD] =	sst s0  }
0x9: {  	[smem:$0x3FAE] =	sst s1  }
0xa: {  	[smem:$0x3FAF] =	sst s2  }
0xb: {  	[smem:$0x3FB0] =	sst s3  }
0xc: {  	[smem:$0x3FB1] =	sst s4  }
0xd: {  	[smem:$0x3FB2] =	sst s5  }
0xe: {  	[smem:$0x3FB3] =	sst s6  }
0xf: {  	[smem:$0x3FB4] =	sst s7  }
0x10: {  	[smem:$0x3FB5] =	sst s8  }
0x11: {  	[smem:$0x3FB6] =	sst s9;
	s0 =	simm.s32 @!p0 $0x0  }
0x12: {  	s1 =	sld [smem:$0x3F9C];
	s0 =	simm.s32 @p0 $0x1  }
0x13: {  	[smem:$0x3FB7] =	sst s0;
	s0 =	simm.s32 @!p1 $0x0  }
0x14: {  	s2 =	sld [smem:$0x3F9B];
	s0 =	simm.s32 @p1 $0x1  }
0x15: {  	[smem:$0x3FB8] =	sst s0;
	s0 =	simm.s32 @!p2 $0x0  }
0x16: {  	s3 =	sld [smem:$0x3FDB];
	s0 =	simm.s32 @p2 $0x1  }
0x17: {  	s4 =	simm.s32 $0x1BF5;
	[smem:$0x3FBA] =	sst s0  }
0x18: {  	s0 =	sld [smem:$0x3F9D];
	_ =	swait.ge [sflag:s4], $0x0  }
0x19: {  	s7 =	sld [smem:$0x3F9E]  }
0x1a: {  	s8 =	sadd.s32 $0xFFFFE003, lr  }
0x1b: {  	s9 =	sadd.s32 $0xFFFFFEF7, lr;
	s5 =	simm.s32 $0xFFFFFFFF;
	p2 =	slt.u32 s8, $0xFFFFF086  }
0x1c: {  	p1 =	slt.u32 s9, $0xF7A;
	s5 =	simm.s32 @!p2 $0x0  }
0x1d: {  	s5 =	simm.s32 @p1 $0x1;
	p0 =	seq.s32 s7, s2  }
0x1e: {  	s7 =	smul.u32 @!p0 $0xF7A, s2;
	p2 =	seq.s32 @!p0 s5, $0x0  }
0x1f: {  	s9 =	smul.u32 $0xF7A, s1;
	s8 =	simm.s32 @!p0 $0x1BF5;
	p2 =	por !p2, p0  }
0x20: {  	[sflag:s8] =	ssyncset.s32 @!p0 $0xFFFFF086;
	s6 =	sadd.s32 @!p0 s3, s7;
	s7 =	simm.s32 @!p0 $0x108  }
0x21: {  	s3 =	sadd.s32 s3, s9;
	s6 =	sadd.s32 @!p0 $0x88, s6;
	s7 =	simm.s32 @p2 $0x1082  }
0x22: {  	[simem:s7], [sflag:s8] =	dma.local @!p0 [hbm:s6], $0xF7A  }
0x23: {  	s9 =	sor.u32 $0xD0000000, s2;
	s6 =	simm.s32 $0x108;
	_ =	swait.ge @!p0 [sflag:s8], $0x0  }
0x24: {  	s3 =	sadd.s32 $0x88, s3;
	s6 =	simm.s32 @!p1 $0x1082;
	[sflag:s4] =	ssyncset.s32 $0xFFFFF086  }
0x25: {  	[simem:s6], [sflag:s4] =	dma.local [hbm:s3], $0xF7A  }
0x26: {  	[smem:$0x3F9E] =	sst s1;
	(tag) =	ssettag s2;
	_ =	strace s9  }
0x27: {  	s1 =	sld [smem:$0x3FAE]  }
0x28: {  	s2 =	sld [smem:$0x3FAF]  }
0x29: {  	s4 =	sld [smem:$0x3FB1]  }
0x2a: {  	p0 =	seq.s32 s5, $0x0;
	s5 =	sld [smem:$0x3FB2]  }
0x2b: {  	s6 =	sld [smem:$0x3FB3]  }
0x2c: {  	s7 =	sld [smem:$0x3FB4]  }
0x2d: {  	s3 =	simm.s32 $0x108;
	s8 =	sld [smem:$0x3FB5]  }
0x2e: {  	s3 =	simm.s32 @!p0 $0x1082;
	s9 =	sld [smem:$0x3FB6]  }
0x2f: {  	lr =	sadd.s32 s0, s3;
	s0 =	sld [smem:$0x3FAD]  }
0x30: {  	s3 =	sld [smem:$0x3FB0]  }
0x31: {  	[smem:$0x3FB9] =	sst s10  }
0x32: {  	s10 =	sld [smem:$0x3FB7];
	_ =	sdelay $0x3  }
0x33: {  	p0 =	seq.s32 s10, $0x1;
	s10 =	sld [smem:$0x3FB9];
	_ =	sdelay $0x3  }
0x34: {  	[smem:$0x3FB9] =	sst s10  }
0x35: {  	s10 =	sld [smem:$0x3FB8];
	_ =	sdelay $0x3  }
0x36: {  	p1 =	seq.s32 s10, $0x1;
	s10 =	sld [smem:$0x3FB9];
	_ =	sdelay $0x3  }
0x37: {  	[smem:$0x3FB9] =	sst s10  }
0x38: {  	s10 =	sld [smem:$0x3FBA]  }
0x39: {  	_ = 	snop;
	(pc) =	sbr.ind lr, $3  }
0x3a: {  	_ = 	snop  }
0x3b: {  	_ = 	snop  }
0x3c: {  	p2 =	seq.s32 s10, $0x1;
	s10 =	sld [smem:$0x3FB9]  }
0x3d: {  	_ =	shalt  }
0x3e: {  	_ =	shalt  }
0x3f: {  	_ =	shalt  }
0x40: {  	_ =	shalt  }
0x41: {  	_ =	shalt  }
0x42: {  	_ =	shalt  }
0x43: {  	_ =	shalt  }
0x44: {  	_ =	shalt  }
0x45: {  	_ =	shalt  }
0x46: {  	_ =	shalt  }
0x47: {  	_ =	shalt  }
0x48: {  	_ =	shalt  }
0x49: {  	_ =	shalt  }
0x4a: {  	_ =	shalt  }
0x4b: {  	_ =	shalt  }
0x4c: {  	_ =	shalt  }
0x4d: {  	_ =	shalt  }
0x4e: {  	_ =	shalt  }
0x4f: {  	_ =	shalt  }
0x50: {  	_ =	shalt  }
0x51: {  	_ =	shalt  }
0x52: {  	_ =	shalt  }
0x53: {  	_ =	shalt  }
0x54: {  	_ =	shalt  }
0x55: {  	_ =	shalt  }
0x56: {  	_ =	shalt  }
0x57: {  	_ =	shalt  }
0x58: {  	_ =	shalt  }
0x59: {  	_ =	shalt  }
0x5a: {  	_ =	shalt  }
0x5b: {  	_ =	shalt  }
0x5c: {  	_ =	shalt  }
0x5d: {  	_ =	shalt  }
0x5e: {  	_ =	shalt  }
0x5f: {  	_ =	shalt  }
0x60: {  	_ =	shalt  }
0x61: {  	_ =	shalt  }
0x62: {  	_ =	shalt  }
0x63: {  	_ =	shalt  }
0x64: {  	_ =	shalt  }
0x65: {  	_ =	shalt  }
0x66: {  	_ =	shalt  }
0x67: {  	_ =	shalt  }
0x68: {  	_ =	shalt  }
0x69: {  	_ =	shalt  }
0x6a: {  	_ =	shalt  }
0x6b: {  	_ =	shalt  }
0x6c: {  	_ =	shalt  }
0x6d: {  	_ =	shalt  }
0x6e: {  	_ =	shalt  }
0x6f: {  	_ =	shalt  }
0x70: {  	_ =	shalt  }
0x71: {  	_ =	shalt  }
0x72: {  	_ =	shalt  }
0x73: {  	_ =	shalt  }
0x74: {  	_ =	shalt  }
0x75: {  	_ =	shalt  }
0x76: {  	_ =	shalt  }
0x77: {  	_ =	shalt  }
0x78: {  	_ =	shalt  }
0x79: {  	_ =	shalt  }
0x7a: {  	_ =	shalt  }
0x7b: {  	_ =	shalt  }
0x7c: {  	_ =	shalt  }
0x7d: {  	_ =	shalt  }
0x7e: {  	_ =	shalt  }
0x7f: {  	_ =	shalt  }
0x80: {  	_ =	shalt  }
0x81: {  	_ =	shalt  }
0x82: {  	_ =	shalt  }
0x83: {  	_ =	shalt  }
0x84: {  	_ =	shalt  }
0x85: {  	_ =	shalt  }
0x86: {  	_ =	shalt  }
0x87: {  	_ =	shalt  }
.Lfunc_end0:
.L_simem_size_0:
called_computation_lowered:
.L_overlay_start_0:
0x88: {  	s2 =	sld [smem:$0x3FD9]  }
0x89: {  	s3 =	sld [smem:$0x3FFE];
	_ =	sdelay $0x1  }
0x8a: {  	s1 =	srdreg.scid  }
0x8b: {  	s0 =	sand.u32 $0x1, s1  }
0x8c: {  	s15 =	sshll.u32 s0, $0xA;
	s2 =	sadd.s32 s3, s2  }
0x8d: {  	s2 =	sadd.s32 s2, s15  }
0x8e: {  	[smem:$0x3FC5] =	sst s2  }
0x8f: {  	_ = 	snop  }
0x90: {  	s2 =	sld [smem:$0x3FD0];
	_ =	sdelay $0x2  }
0x91: {  	s16 =	simm.s32 $0xA;
	s4 =	simm.s32 $0x10  }
0x92: {  	[smem:s4], [sflag:s16] =	dma.local [hbm:s2], $0x1  }
0x93: {  	_ =	swait.eq [sflag:s16], $0x1  }
0x94: {  	[sflag:s16] =	ssyncset.done $0x0  }
0x95: {  	s17 =	sld [smem:$0x12];
	[sflag:s16] =	ssyncadd.s32 $0xFFFFFFFF  }
0x96: {  	s18 =	sld [smem:$0x13];
	(tm) =	ssettm $0x1  }
0x97: {  	s19 =	sld [smem:$0x3FFB];
	_ =	sdelay $0x3  }
0x98: {  	_ =	strace s19  }
0x99: {  	s4 =	sld [smem:$0x3FFC];
	_ =	sdelay $0x3  }
0x9a: {  	_ =	strace s4  }
0x9b: {  	s4 =	sld [smem:$0x3FFD];
	_ =	sdelay $0x3  }
0x9c: {  	_ =	strace s4  }
0x9d: {  	_ =	strace $0x8FFFFFFF  }
0x9e: {  	s20 =	sld [smem:$0x3FDB];
	_ =	sdelay $0x1  }
0x9f: {  	s5 =	simm.s32 $_scs_section_size  }
0xa0: {  	s6 =	simm.s32 $_size__tile_overlayer_lowered;
	s7 =	simm.s32 $_tile_overlayer_lowered  }
0xa1: {  	s23 =	simm.s32 $0x1BFF;
	s22 =	sshll.u32 s7, $0x1;
	s4 =	sadd.s32 s5, s20  }
0xa2: {  	s8 =	simm.s32 $0x0;
	s21 =	sshll.u32 s6, $0x1;
	s6 =	sadd.s32 s22, s4  }
0xa3: {  	[timem:s8], [sflag:s23] =	dma.local [hbm:s6], s21  }
0xa4: {  	_ =	swait.ge [sflag:s23], s21  }
0xa5: {  	s5 =	ssub.s32 $0x0, s21;
	[sflag:s23] =	ssyncset.done $0x0  }
0xa6: {  	[sflag:s23] =	ssyncadd.s32 s5;
	_ =	sdelay $0x1  }
0xa7: {  	s24 =	simm.s32 $0x1B8B  }
0xa8: {  	_ =	swait.ge [sflag:s24], $0x1  }
0xa9: {  	[sflag:s24] =	ssyncset.done $0x0  }
0xaa: {  	s25 =	simm.s32 $0x1B8E;
	[sflag:s24] =	ssyncadd.s32 $0xFFFFFFFF  }
0xab: {  	s26 =	simm.s32 $execute0_lowered;
	[smem:$0x3FD2] =	sst s25  }
0xac: {  	s5 =	sshll.u32 s26, $0x1;
	_ =	strace $0x80000046;
	[dreg:$0x1] =	wrdreg $0xFFFFFFFF  }
0xad: {  	s28 =	simm.s32 $_size_execute0_lowered;
	s4 =	sadd.s32 s4, s5;
	[dreg:$0x0] =	wrdreg $0x0  }
0xae: {  	s5 =	sshll.u32 s28, $0x1;
	[dreg:$0x2] =	wrdreg s4  }
0xaf: {  	[dreg:$0x3] =	wrdreg s5  }
0xb0: {  	[dreg:$0x4] =	wrdreg $0xC0  }
0xb1: {  	_ =	task [dreg:s8], $0x5FFFF  }
0xb2: {  	[dreg:$0x1] =	wrdreg $0xFFFFFFFF  }
0xb3: {  	[dreg:$0x0] =	wrdreg $0x60  }
0xb4: {  	[dreg:$0x2] =	wrdreg s17  }
0xb5: {  	[dreg:$0x3] =	wrdreg s18  }
0xb6: {  	[dreg:$0x4] =	wrdreg $0x9  }
0xb7: {  	_ =	task.clear_ibuf [dreg:s8], $0x5FFFF;
	_ =	strace $0x90000046  }
0xb8: {  	s29 =	simm.s32 $0x9;
	_ =	strace $0x80000048  }
0xb9: {  	_ =	swait.ge [sflag:s29], $0x1  }
0xba: {  	[sflag:s29] =	ssyncadd.s32 $0xFFFFFFFF  }
0xbb: {  	_ =	strace $0x90000048  }
0xbc: {  	_ =	sfence  }
0xbd: {  	s30 =	sld [smem:$0x0];
	_ =	sdelay $0x2  }
0xbe: {  	s31 =	sshll.u32 s1, $0xD;
	s1 =	sshrl.u32 s1, $0x2  }
0xbf: {  	s3 =	sand.u32 $0x4000, s31;
	s1 =	sadd.s32 s1, s30  }
0xc0: {  	s0 =	sor.u32 s3, s0;
	s1 =	sshll.u32 s1, $0x11  }
0xc1: {  	s0 =	sor.u32 s1, s0  }
0xc2: {  	s0 =	sadd.s32 $0x8F2B, s0  }
0xc3: {  	[sflag:s0] =	ssyncadd.remote.s32 $0x1  }
0xc4: {  	_ =	sfence.sel $0xFFFF  }
0xc5: {  	[dreg:$0x0] =	wrdreg $0xFFFFFFFF;
	(pc) =	sbr.abs _section_cstart, $3  }
0xc6: {  	[dreg:$0x1] =	wrdreg $0xFFFFFFFF  }
0xc7: {  	_ =	task.clear_ibuf [dreg:s8], $0x2FFFF;
	_ =	strace $0x9FFFFFFF  }
0xc8: {  	(tm) =	ssettm $0x7FFFFFFF  }
0xc9: {  	_ =	shalt  }
tec
execute0_lowered:
.L_overlay_start_1:
0x0: {  	(tag) =	ssettag $0x1  }
0x1: {  	s2 =	rddreg [dreg:$0x0]  }
0x2: {  	s5 =	rddreg [dreg:$0x1];
	s3 =	srdreg.scid  }
0x3: {  	s0 =	rddreg [dreg:$0x2];
	s1 =	stileid.u32;
	s3 =	sand.u32 $0x1, s3  }
0x4: {  	s9 =	simm.s32 $0x0;
	s4 =	sshll.u32 s1, $0x6;
	s6 =	ssub.s32 $0x2, s3  }
0x5: {  	s7 =	sshll.u32 s3, $0x5;
	s3 =	simm.s32 $0x0;
	s8 =	sshrl.u32 s6, $0x1  }
0x6: {  	v0 =	vlaneseq.u32;
	s4 =	sor.u32 s7, s4;
	[smem:$0x7FF] =	sst s3;
	s6 =	ssub.s32 s6, s8  }
0x7: {  	v2 =	vor.u32 $0x10, v0;
	s7 =	sshrl.u32 s4, $0x3;
	_ =	strace $0x80000047;
	s8 =	simm.s32 $0x4000  }
0x8: {  	v3 =	vimm.s32 $0x0;
	v1 =	vor.u32 s4, v0;
	v2 =	vor.u32 s4, v2;
	s5 =	sadd.s32 s5, s7;
	s6 =	smax.u32 s6, $0x1;
	s7 =	simm.s32 $0x1  }
.LBB2_1:
0x9: {  	[tilespmem:s3], [sflag:$0x1] =	stream.linear.gather [hbm4b:s2+s3], $0x4000, $0x38;
	[tilespmem:$0x4080] =	vst v63  }
0xa: {  	s10 =	sand.u32 $0xC, s3  }
0xb: {  	s11 =	sand.u32 $0x3F0, s3;
	s13 =	sand.u32 $0x3380, s3;
	_ =	swait.ge [sflag:s7], $0x4000  }
0xc: {  	s14 =	sand.u32 $0x70, s3;
	v5 =	vor.u32 s11, v0;
	s29 =	sor.u32 $0x2, s10;
	[sflag:s7] =	ssyncset.done $0x0  }
0xd: {  	s12 =	sor.u32 $0x3, s10;
	s15 =	sor.u32 $0x1, s10;
	v6 =	vadd.s32 s29, v5;
	[sflag:s7] =	ssyncadd.s32 $0xFFFFC000  }
0xe: {  	s13 =	sor.u32 s14, s13;
	v7 =	vadd.s32 s12, v5;
	v8 =	vadd.s32 s10, v5;
	v9 =	vadd.s32 s15, v5;
	v4 =	vld [tilespmem:s4+$0x0]  }
0xf: {  	v10 =	vadd.s32 $0xFFFFFC00, v7;
	v12 =	vadd.s32 $0xFFFFFC00, v8;
	v13 =	vadd.s32 $0xFFFFFC00, v9;
	v11 =	vld [tilespmem:s13+$0x0]  }
0x10: {  	v14 =	vadd.s32 $0xFFFFFC00, v6;
	v5 =	vld [tilespmem:s4+$0x10];
	v13 =	vmin.u32 v13, v9;
	v7 =	vmin.u32 v10, v7  }
0x11: {  	s30 =	sand.u32 $0x380, s3;
	s12 =	sshll.u32 s12, $0xA;
	v6 =	vmin.u32 v14, v6;
	v8 =	vmin.u32 v12, v8;
	vm5 =	vgt.s32 v7, v1  }
0x12: {  	s11 =	sshll.u32 s29, $0xA;
	s12 =	sor.u32 s30, s12;
	vm2 =	vgt.s32 v7, v2;
	vm11 =	vgt.s32 v13, v1;
	vm4 =	vgt.s32 v6, v1  }
0x13: {  	s31 =	sshll.u32 s15, $0xA;
	s11 =	sor.u32 s30, s11;
	s12 =	sor.u32 s14, s12;
	vm3 =	vgt.s32 v6, v2;
	vm8 =	vgt.s32 v8, v1;
	vm6 =	vgt.s32 v8, v2  }
0x14: {  	s10 =	sor.u32 s30, s31;
	s11 =	sor.u32 s14, s11;
	v9 =	vld [tilespmem:s12+$0x0];
	vm12 =	vgt.s32 v13, v2;
	v7 =	vimm.s32 $0x0;
	v6 =	vimm.s32 $0x0  }
0x15: {  	s10 =	sor.u32 s14, s10;
	v10 =	vld [tilespmem:s11+$0x0];
	vm9 =	vgt.f32 v11, v4;
	vm10 =	veq.f32 v11, v4;
	vm7 =	vgt.f32 v11, v5  }
0x16: {  	s11 =	simm.s32 $0x0;
	v8 =	vsel vm9, $0x1, v3;
	vm9 =	vmand vm8, vm10;
	vm8 =	veq.f32 v11, v5;
	v11 =	vld [tilespmem:s10+$0x0];
	s10 =	simm.s32 $0x1004  }
.LBB2_2:
0x17: {  	v12 =	vimm.s32 $0x0;
	v55 =	vimm.s32 $0x0  }
0x18: {  	v56 =	vsel vm9, $0x1, v3;
	v13 =	vsel vm7, $0x1, v3;
	vm6 =	vmand vm6, vm8  }
0x19: {  	v7 =	vadd.s32 v8, v7;
	v12 =	vsel vm11, $0xFFFFFFFF, v12;
	v14 =	vsel vm6, $0x1, v3  }
0x1a: {  	v6 =	vadd.s32 v13, v6;
	v7 =	vadd.s32 v56, v7;
	[tilespmem:$0x1FFE0] =	vst v12;
	v12 =	vsel vm12, $0xFFFFFFFF, v55  }
0x1b: {  	v6 =	vadd.s32 v14, v6;
	vm6 =	vgt.f32 v9, v4;
	vm7 =	veq.f32 v9, v4  }
0x1c: {  	vm8 =	vgt.f32 v10, v4;
	vm9 =	vgt.f32 v9, v5;
	vm10 =	veq.f32 v9, v5  }
0x1d: {  	s11 =	sadd.s32 $0x4, s11;
	[tilespmem:$0x1FFF0] =	vst v12;
	v17 =	vld [tilespmem:$0x1FFE0];
	vm11 =	veq.f32 v10, v4;
	vm12 =	vgt.f32 v10, v5;
	vm13 =	veq.f32 v10, v5  }
0x1e: {  	s15 =	sand.u32 $0x3380, s10;
	s16 =	sand.u32 $0x70, s11;
	vm14 =	vgt.f32 v11, v4;
	vm15 =	veq.f32 v11, v4;
	vm0 =	vgt.f32 v11, v5;
	v8 =	vld [tilespmem:$0x1FFF0]  }
0x1f: {  	s15 =	sor.u32 s16, s15;
	vm1 =	veq.f32 v11, v5;
	v9 =	vsel vm6, $0x1, v3;
	vm7 =	vmand vm5, vm7  }
0x20: {  	v60 =	vld [tilespmem:s15+$0x0];
	v10 =	vsel vm8, $0x1, v3;
	v11 =	vsel vm9, $0x1, v3;
	vm8 =	vmand vm2, vm10  }
0x21: {  	vm9 =	vmand vm4, vm11;
	v15 =	vsel vm12, $0x1, v3;
	vm2 =	vmand vm3, vm13  }
0x22: {  	v16 =	vsel vm14, $0x1, v3;
	v57 =	vsel vm0, $0x1, v3;
	vm3 =	vnez.u8 v17  }
0x23: {  	v7 =	vadd.s32 v16, v7;
	vm6 =	vmand vm3, vm15;
	vm0 =	vnez.u8 v8  }
0x24: {  	v6 =	vadd.s32 v57, v6;
	vm0 =	vmand vm0, vm1;
	v8 =	vsel vm6, $0x1, v3  }
0x25: {  	vm1 =	vgt.f32 v60, v4;
	v58 =	vsel vm0, $0x1, v3;
	v7 =	vadd.s32 v8, v7  }
0x26: {  	v8 =	vsel vm9, $0x1, v3;
	v6 =	vadd.s32 v58, v6;
	v7 =	vadd.s32 v10, v7  }
0x27: {  	v10 =	vsel vm2, $0x1, v3;
	v6 =	vadd.s32 v15, v6;
	v7 =	vadd.s32 v8, v7  }
0x28: {  	s13 =	sand.u32 $0x3F0, s11;
	v8 =	vsel vm7, $0x1, v3;
	vm7 =	vgt.f32 v60, v5;
	v6 =	vadd.s32 v10, v6  }
0x29: {  	s12 =	sand.u32 $0xC, s11;
	v7 =	vadd.s32 v9, v7;
	v9 =	vsel vm8, $0x1, v3;
	v10 =	vor.u32 s13, v0  }
0x2a: {  	s29 =	sor.u32 $0x2, s12;
	vm8 =	veq.f32 v60, v4;
	v6 =	vadd.s32 v11, v6;
	v7 =	vadd.s32 v8, v7  }
0x2b: {  	s14 =	sor.u32 $0x3, s12;
	s17 =	sor.u32 $0x1, s12;
	v8 =	vadd.s32 s29, v10;
	v11 =	vadd.s32 s12, v10;
	v6 =	vadd.s32 v9, v6  }
0x2c: {  	v9 =	vadd.s32 s14, v10;
	v10 =	vadd.s32 s17, v10;
	v61 =	vadd.s32 $0xFFFFFC00, v11  }
0x2d: {  	p0 =	sne.s32 s10, $0xFF3FC;
	s30 =	sand.u32 $0x380, s11;
	s31 =	sshll.u32 s17, $0xA;
	v63 =	vadd.s32 $0xFFFFFC00, v8;
	v59 =	vadd.s32 $0xFFFFFC00, v9;
	v62 =	vadd.s32 $0xFFFFFC00, v10  }
.Ltmp0:
0x2e: {  	s12 =	sor.u32 s30, s31;
	s14 =	sshll.u32 s14, $0xA;
	v8 =	vmin.u32 v63, v8;
	v11 =	vmin.u32 v61, v11;
	v10 =	vmin.u32 v62, v10;
	(pc) =	sbr.rel @p0 .LBB2_2-.Ltmp0, $4  }
0x2f: {  	s13 =	sshll.u32 s29, $0xA;
	s12 =	sor.u32 s16, s12;
	s14 =	sor.u32 s30, s14;
	v9 =	vmin.u32 v59, v9;
	vm4 =	vgt.s32 v8, v1;
	vm3 =	vgt.s32 v8, v2  }
0x30: {  	s13 =	sor.u32 s30, s13;
	s14 =	sor.u32 s16, s14;
	vm0 =	vgt.s32 v11, v1;
	vm6 =	vgt.s32 v11, v2;
	v8 =	vsel vm1, $0x1, v3;
	v11 =	vld [tilespmem:s12+$0x0]  }
0x31: {  	s13 =	sor.u32 s16, s13;
	vm5 =	vgt.s32 v9, v1;
	vm2 =	vgt.s32 v9, v2;
	vm11 =	vgt.s32 v10, v1;
	v9 =	vld [tilespmem:s14+$0x0]  }
0x32: {  	s10 =	sadd.s32 $0x1004, s10;
	vm12 =	vgt.s32 v10, v2;
	v10 =	vld [tilespmem:s13+$0x0];
	vm9 =	vmand vm0, vm8;
	vm8 =	veq.f32 v60, v5  }
0x33: {  	_ = 	snop  }
0x34: {  	v13 =	vsel vm7, $0x1, v3;
	vm0 =	vmand vm6, vm8  }
0x35: {  	v14 =	vsel vm0, $0x1, v3;
	v6 =	vadd.s32 v13, v6  }
0x36: {  	v12 =	vsel vm9, $0x1, v3;
	v6 =	vadd.s32 v14, v6;
	vm1 =	vgt.f32 v9, v4  }
0x37: {  	vm8 =	veq.f32 v9, v4;
	vm10 =	vgt.f32 v9, v5;
	vm13 =	veq.f32 v9, v5  }
0x38: {  	v15 =	vsel vm1, $0x1, v3;
	vm9 =	vgt.f32 v10, v4;
	vm5 =	vmand vm5, vm8  }
0x39: {  	v57 =	vsel vm10, $0x1, v3;
	vm14 =	veq.f32 v10, v4;
	vm1 =	vmand vm2, vm13  }
0x3a: {  	vm15 =	vgt.f32 v10, v5;
	vm8 =	veq.f32 v10, v5;
	vm10 =	veq.f32 v11, v4  }
0x3b: {  	v16 =	vsel vm9, $0x1, v3;
	vm0 =	vmand vm4, vm14;
	v58 =	vsel vm15, $0x1, v3  }
0x3c: {  	vm9 =	vgt.f32 v11, v4;
	vm3 =	vmand vm3, vm8;
	vm13 =	vmand vm11, vm10  }
0x3d: {  	vm14 =	vgt.f32 v11, v5;
	vm15 =	veq.f32 v11, v5;
	v5 =	vadd.s32 v8, v7  }
0x3e: {  	v4 =	vsel vm9, $0x1, v3;
	v17 =	vsel vm14, $0x1, v3;
	v5 =	vadd.s32 v12, v5  }
0x3f: {  	vm4 =	vmand vm12, vm15;
	v59 =	vsel vm13, $0x1, v3;
	v4 =	vadd.s32 v4, v5  }
0x40: {  	v5 =	vsel vm4, $0x1, v3;
	v6 =	vadd.s32 v17, v6;
	v4 =	vadd.s32 v59, v4  }
0x41: {  	v60 =	vsel vm0, $0x1, v3;
	v5 =	vadd.s32 v5, v6;
	v4 =	vadd.s32 v16, v4  }
0x42: {  	v61 =	vsel vm3, $0x1, v3;
	v5 =	vadd.s32 v58, v5;
	v4 =	vadd.s32 v60, v4  }
0x43: {  	v62 =	vsel vm5, $0x1, v3;
	v5 =	vadd.s32 v61, v5;
	v4 =	vadd.s32 v15, v4  }
0x44: {  	s9 =	sadd.s32 $0x1, s9;
	v63 =	vsel vm1, $0x1, v3;
	v5 =	vadd.s32 v57, v5;
	v4 =	vadd.s32 v62, v4  }
0x45: {  	p0 =	sne.s32 s9, s6;
	v5 =	vadd.s32 v63, v5;
	[tilespmem:$0x4000] =	vst v4  }
.Ltmp1:
0x46: {  	[tilespmem:$0x4010] =	vst v5;
	(pc) =	sbr.rel @p0 .LBB2_1-.Ltmp1, $4  }
0x47: {  	[hbm4b:s5+s3] =	stream.linear.scatter [tilespmem:s8], [sflag:$0x1], $0x20, $0x38;
	[tilespmem:$0x4080] =	vst v63  }
0x48: {  	_ =	swait.ge [sflag:s7], $0x20  }
0x49: {  	[sflag:s7] =	ssyncset.done $0x0  }
0x4a: {  	[sflag:s7] =	ssyncadd.s32 $0xFFFFFFE0  }
0x4b: {  	_ =	sfence.sel $0x180000  }
0x4c: {  	[bflag:$0x0] =	sbarrier.arrive $0xFFFF  }
0x4d: {  	p0 =	sne.s32 s1, $0x0;
	_ =	strace $0x90000047  }
0x4e: {  	s0 =	sadd.s32 @!p0 $0x100000, s0;
	[bflag:$0x2] =	sbarrier.arrive $0xFFFF  }
0x4f: {  	[sflag:s0] =	ssyncadd.tile.s32 @!p0 $0x1;
	_ =	shalt  }
.Lfunc_end2:
_tile_overlayer_lowered:
.L_overlay_start_2:
0x50: {  	(tag) =	ssettag $0x2  }
0x51: {  	s0 =	rddreg [dreg:$0x0];
	s2 =	stileid.u32  }
0x52: {  	s1 =	rddreg [dreg:$0x1];
	p0 =	sne.s32 s2, $0x0  }
0x53: {  	s3 =	rddreg [dreg:$0x2];
	[bflag:$0x3] =	sbarrier.arrive $0xFFFF;
	s2 =	simm.s32 @!p0 $0x1C01  }
0x54: {  	[timem:s3], [sflag:s2] =	dma.local @!p0 [hbm:s0], s1  }
0x55: {  	s0 =	simm.s32 @!p0 $0x1  }
0x56: {  	_ =	swait.ge @!p0 [sflag:s0], s1  }
0x57: {  	s1 =	ssub.s32 @!p0 $0x0, s1;
	[sflag:s0] =	ssyncset.done @!p0 $0x0  }
0x58: {  	[sflag:s0] =	ssyncadd.s32 @!p0 s1  }
0x59: {  	[bflag:$0x3] =	sbarrier.arrive $0xFFFF  }
0x5a: {  	_ =	shalt  }

</sc_bundles>
